<compile_context>
chip_gen: v7x
topology: tpu7x:2x2x1
jax: 0.10.2.dev20260603
libtpu: 0.0.44.dev20260713+nightly
codegen_flags: <defaults>
</compile_context>

<pallas_src>
import functools

import jax
import jax.numpy as jnp
from jax import lax
from jax.experimental import pallas as pl
from jax.experimental.pallas import tpu as pltpu
from jax.experimental.pallas import tpu_sc as plsc

EMBED = 64
NUM_CORES = 2
NUM_SUBCORES = 16
NW = NUM_CORES * NUM_SUBCORES
BLK = 128
TPAD = 129


def _sc_gather_t(idx_flat, table2):
    b_total = idx_flat.shape[0]
    n_blocks = b_total // BLK
    blocks_per_w = n_blocks // NW
    b_per_w = b_total // NW
    mesh = plsc.VectorSubcoreMesh(core_axis_name="c", subcore_axis_name="s")

    @functools.partial(
        pl.kernel,
        out_type=jax.ShapeDtypeStruct((n_blocks * 8 * 8, 128), jnp.float32),
        mesh=mesh,
        scratch_types=[
            pltpu.VMEM((b_per_w,), jnp.int32),
            pltpu.VMEM((BLK, EMBED), jnp.float32),
            pltpu.VMEM((BLK, EMBED), jnp.float32),
            pltpu.VMEM((EMBED, TPAD), jnp.float32),
            pltpu.VMEM((EMBED, TPAD), jnp.float32),
            pltpu.SemaphoreType.DMA,
            pltpu.SemaphoreType.DMA,
            pltpu.SemaphoreType.DMA,
            pltpu.SemaphoreType.DMA,
        ],
        compiler_params=pltpu.CompilerParams(
            use_tc_tiling_on_sc=False, needs_layout_passes=False),
    )
    def k(idx_hbm, table_hbm, out_hbm, idx_v, rows0, rows1, t0, t1,
          gsem0, gsem1, osem0, osem1):
        wid = lax.axis_index("s") * NUM_CORES + lax.axis_index("c")
        base = wid * b_per_w
        rows = (rows0, rows1)
        tb = (t0, t1)
        gsem = (gsem0, gsem1)
        osem = (osem0, osem1)

        pltpu.sync_copy(idx_hbm.at[pl.ds(base, b_per_w)], idx_v)
        lanes = lax.iota(jnp.int32, 16)

        def gather(j, b):
            pltpu.async_copy(
                table_hbm.at[idx_v.at[pl.ds(j * BLK, BLK)]],
                rows[b], gsem[b])

        def stage(j, b):
            pltpu.make_async_copy(
                table_hbm.at[idx_v.at[pl.ds(0, BLK)]],
                rows[b], gsem[b]).wait()

            @plsc.parallel_loop(0, BLK, step=1, unroll=8)
            def _(bi):
                bvec = jnp.full((16,), bi, jnp.int32)
                for j16 in range(EMBED // 16):
                    vals = rows[b][bi, pl.ds(j16 * 16, 16)]
                    plsc.store_scatter(
                        tb[b], [j16 * 16 + lanes, bvec], vals)
            blk = wid * blocks_per_w + j
            h = blk // 32
            bc = blk - h * 32
            for er in range(8):
                pltpu.async_copy(
                    tb[b].at[pl.ds(er * 8, 8), pl.ds(0, 128)],
                    out_hbm.at[pl.ds(((h * 8 + er) * 32 + bc) * 8, 8)],
                    osem[b])

        def wait_writes(b):
            pltpu.make_async_copy(
                tb[b].at[pl.ds(0, EMBED), pl.ds(0, 128)],
                out_hbm.at[pl.ds(0, EMBED)], osem[b]).wait()

        gather(0, 0)

        def body(p, carry):
            for b in range(2):
                j = p * 2 + b
                if b == 0:
                    gather(j + 1, 1)
                else:
                    @pl.when(j + 1 < blocks_per_w)
                    def _():
                        gather(j + 1, 0)

                @pl.when(p >= 1)
                def _():
                    wait_writes(b)

                stage(j, b)
            return carry

        lax.fori_loop(0, blocks_per_w // 2, body, 0)
        wait_writes(0)
        wait_writes(1)

    return k(idx_flat, table2)


def kernel(input, table):
    vocab = table.shape[0]
    t_lin = jnp.pad(table, ((0, 0), (0, 64))).reshape(2 * vocab, EMBED)
    idxT = input.T.reshape(-1).astype(jnp.int32) * 2
    out5 = _sc_gather_t(idxT, t_lin).reshape(200, 8, 32, 8, 128)
    out = jnp.transpose(out5, (2, 4, 0, 1, 3)).reshape(4096, 200, EMBED)
    return out

# --- scband reference (transcript-rebuilt; emitter-appended) ---
"""Pipeline reference for scband-word-embedding-66494683677014 (READ-ONLY COPY).

The authoritative reference and input builder live on the scoring server;
editing this copy changes nothing except your own understanding.
"""

import jax, jax.numpy as jnp
import numpy as np

VOCAB = 1000000
EMBED = 64
BATCH = 4096
HIST = 200
PAD_ID = 0

def setup_inputs(seed: int = 0) -> dict:
    key = jax.random.key(seed)
    k_tab, k_idx = jax.random.split(key)
    table = jax.random.normal(k_tab, (VOCAB, EMBED), dtype=jnp.float32)
    # nn.Embedding with padding_idx zeroes the padding row at init
    table = table.at[PAD_ID].set(0.0)
    indices = jax.random.randint(k_idx, (BATCH, HIST), 0, VOCAB, dtype=jnp.int64 if jax.config.jax_enable_x64 else jnp.int32)
    return {"input": indices, "table": table}

def reference(input, table):
    # WordEmbedding.forward: embedded = self.embedding(input)
    embeded = jnp.take(table, input, axis=0)
    return embeded

if __name__ == "__main__":
    import jax
    _d = setup_inputs()
    print(jax.jit(kernel)(*tuple(_d.values())))

</pallas_src>

<mosaic_0001>
#map = affine_map<(d0, d1) -> (0)>
#map1 = affine_map<(d0, d1) -> (0, 0)>
module attributes {stable_mosaic.version = 14 : i64} {
  func.func @k(%arg0: i32, %arg1: i32, %arg2: memref<819200xi32, #tpu.memory_space<hbm>>, %arg3: memref<2000000x64xf32, #tpu.memory_space<hbm>>, %arg4: memref<409600x128xf32, #tpu.memory_space<hbm>>, %arg5: memref<25600xi32, #tpu.memory_space<vmem>>, %arg6: memref<128x64xf32, #tpu.memory_space<vmem>>, %arg7: memref<128x64xf32, #tpu.memory_space<vmem>>, %arg8: memref<64x129xf32, #tpu.memory_space<vmem>>, %arg9: memref<64x129xf32, #tpu.memory_space<vmem>>, %arg10: memref<!tpu.dma_semaphore, #tpu.memory_space<semaphore_mem>>, %arg11: memref<!tpu.dma_semaphore, #tpu.memory_space<semaphore_mem>>, %arg12: memref<!tpu.dma_semaphore, #tpu.memory_space<semaphore_mem>>, %arg13: memref<!tpu.dma_semaphore, #tpu.memory_space<semaphore_mem>>) attributes {dimension_semantics = [#tpu.dimension_semantics<core_parallel>, #tpu.dimension_semantics<subcore_parallel>], iteration_bounds = array<i64: 2, 16>, scalar_prefetch = 0 : i64, scratch_operands = 9 : i64, tpu.core_type = #tpu.core_type<sc_vector_subcore>, window_params = [{transform_indices = #map}, {transform_indices = #map1}, {transform_indices = #map1}]} {
    %mul3A = arith.constant 2 : i32
    %mul3A_0 = arith.muli %arg1, %mul3A : i32
    %add3A = arith.addi %mul3A_0, %arg0 : i32
    %mul3A_1 = arith.constant 25600 : i32
    %mul3A_2 = arith.muli %add3A, %mul3A_1 : i32
    "tpu.region"() ({
      %run_scoped3A = tpu.sem_alloc : memref<!tpu.dma_semaphore, #tpu.memory_space<semaphore_mem>>
      %dma_start3A_35 = tpu.memref_slice %arg2[%mul3A_2] : memref<819200xi32, #tpu.memory_space<hbm>> -> memref<25600xi32, #tpu.memory_space<hbm>>
      %dma_start3A_36 = tpu.memref_slice %arg2[%mul3A_2] : memref<819200xi32, #tpu.memory_space<hbm>> -> memref<25600xi32, #tpu.memory_space<hbm>>
      tpu.enqueue_dma source(%dma_start3A_36 : memref<25600xi32, #tpu.memory_space<hbm>>) target(%arg5 : memref<25600xi32, #tpu.memory_space<vmem>>) target_semaphore(%run_scoped3A : memref<!tpu.dma_semaphore, #tpu.memory_space<semaphore_mem>>)
      %dma_wait3A_37 = tpu.memref_slice %arg2[%mul3A_2] : memref<819200xi32, #tpu.memory_space<hbm>> -> memref<25600xi32, #tpu.memory_space<hbm>>
      %dma_wait3A_38 = tpu.memref_slice %arg2[%mul3A_2] : memref<819200xi32, #tpu.memory_space<hbm>> -> memref<25600xi32, #tpu.memory_space<hbm>>
      tpu.wait_dma2 semaphore(%run_scoped3A : memref<!tpu.dma_semaphore, #tpu.memory_space<semaphore_mem>>) src(%dma_wait3A_38 : memref<25600xi32, #tpu.memory_space<hbm>>) dst(%arg5 : memref<25600xi32, #tpu.memory_space<vmem>>)
      tpu.yield
    }) : () -> ()
    %iota3A = tpu.iota {dimensions = array<i32: 0>} : vector<16xi32>
    %dma_start3A = arith.constant 0 : i32
    %dma_start3A_3 = tpu.memref_slice %arg5[%dma_start3A] : memref<25600xi32, #tpu.memory_space<vmem>> -> memref<128xi32, #tpu.memory_space<vmem>>
    %dma_start3A_4 = arith.constant 0 : i32
    %dma_start3A_5 = arith.constant 0 : i32
    %dma_start3A_6 = tpu.memref_slice %arg3[%dma_start3A_4, %dma_start3A_5] : memref<2000000x64xf32, #tpu.memory_space<hbm>> -> memref<2000000x64xf32, #tpu.memory_space<hbm>>
    tpu.enqueue_indirect_dma source(%dma_start3A_6 : memref<2000000x64xf32, #tpu.memory_space<hbm>>) target(%arg6 : memref<128x64xf32, #tpu.memory_space<vmem>>) offsets(%dma_start3A_3 : memref<128xi32, #tpu.memory_space<vmem>>) semaphore(%arg10 : memref<!tpu.dma_semaphore, #tpu.memory_space<semaphore_mem>>)
    %scan3A = arith.constant 0 : i32
    %scan3A_7 = arith.constant 0 : i32
    %scan3A_8 = arith.constant 100 : i32
    %scan3A_9 = arith.addi %scan3A_7, %scan3A_8 : i32
    %scan3A_10 = arith.constant 1 : i32
    scf.for %scan3A_35 = %scan3A_7 to %scan3A_9 step %scan3A_10  : i32 {
      %mul3A_36 = arith.constant 2 : i32
      %mul3A_37 = arith.muli %scan3A_35, %mul3A_36 : i32
      %add3A_38 = arith.constant 0 : i32
      %add3A_39 = arith.addi %mul3A_37, %add3A_38 : i32
      %add3A_40 = arith.constant 1 : i32
      %add3A_41 = arith.addi %add3A_39, %add3A_40 : i32
      %mul3A_42 = arith.constant 128 : i32
      %mul3A_43 = arith.muli %add3A_41, %mul3A_42 : i32
      %dma_start3A_44 = tpu.memref_slice %arg5[%mul3A_43] : memref<25600xi32, #tpu.memory_space<vmem>> -> memref<128xi32, #tpu.memory_space<vmem>>
      %dma_start3A_45 = arith.constant 0 : i32
      %dma_start3A_46 = arith.constant 0 : i32
      %dma_start3A_47 = tpu.memref_slice %arg3[%dma_start3A_45, %dma_start3A_46] : memref<2000000x64xf32, #tpu.memory_space<hbm>> -> memref<2000000x64xf32, #tpu.memory_space<hbm>>
      tpu.enqueue_indirect_dma source(%dma_start3A_47 : memref<2000000x64xf32, #tpu.memory_space<hbm>>) target(%arg7 : memref<128x64xf32, #tpu.memory_space<vmem>>) offsets(%dma_start3A_44 : memref<128xi32, #tpu.memory_space<vmem>>) semaphore(%arg11 : memref<!tpu.dma_semaphore, #tpu.memory_space<semaphore_mem>>)
      %ge3A = arith.constant 1 : i32
      %ge3A_48 = arith.cmpi sge, %scan3A_35, %ge3A : i32
      %convert_element_type3A = arith.extui %ge3A_48 : i1 to i32
      %cond3A = arith.constant 0 : i32
      %cond3A_49 = arith.cmpi ne, %convert_element_type3A, %cond3A : i32
      scf.if %cond3A_49 {
        %dma_wait3A_436 = arith.constant 0 : i32
        %dma_wait3A_437 = arith.constant 0 : i32
        %dma_wait3A_438 = tpu.memref_slice %arg8[%dma_wait3A_436, %dma_wait3A_437] : memref<64x129xf32, #tpu.memory_space<vmem>> -> memref<64x128xf32, #tpu.memory_space<vmem>>
        %dma_wait3A_439 = arith.constant 0 : i32
        %dma_wait3A_440 = arith.constant 0 : i32
        %dma_wait3A_441 = tpu.memref_slice %arg4[%dma_wait3A_439, %dma_wait3A_440] : memref<409600x128xf32, #tpu.memory_space<hbm>> -> memref<64x128xf32, #tpu.memory_space<hbm>>
        %dma_wait3A_442 = arith.constant 0 : i32
        %dma_wait3A_443 = arith.constant 0 : i32
        %dma_wait3A_444 = tpu.memref_slice %arg4[%dma_wait3A_442, %dma_wait3A_443] : memref<409600x128xf32, #tpu.memory_space<hbm>> -> memref<64x128xf32, #tpu.memory_space<hbm>>
        %dma_wait3A_445 = arith.constant 0 : i32
        %dma_wait3A_446 = arith.constant 0 : i32
        %dma_wait3A_447 = tpu.memref_slice %arg8[%dma_wait3A_445, %dma_wait3A_446] : memref<64x129xf32, #tpu.memory_space<vmem>> -> memref<64x128xf32, #tpu.memory_space<vmem>>
        tpu.wait_dma2 semaphore(%arg12 : memref<!tpu.dma_semaphore, #tpu.memory_space<semaphore_mem>>) src(%dma_wait3A_447 : memref<64x128xf32, #tpu.memory_space<vmem>>) dst(%dma_wait3A_444 : memref<64x128xf32, #tpu.memory_space<hbm>>)
      } else {
      }
      %dma_wait3A_50 = arith.constant 0 : i32
      %dma_wait3A_51 = tpu.memref_slice %arg5[%dma_wait3A_50] : memref<25600xi32, #tpu.memory_space<vmem>> -> memref<128xi32, #tpu.memory_space<vmem>>
      %dma_wait3A_52 = arith.constant 0 : i32
      %dma_wait3A_53 = arith.constant 0 : i32
      %dma_wait3A_54 = tpu.memref_slice %arg3[%dma_wait3A_52, %dma_wait3A_53] : memref<2000000x64xf32, #tpu.memory_space<hbm>> -> memref<2000000x64xf32, #tpu.memory_space<hbm>>
      tpu.wait_indirect_dma semaphore(%arg10 : memref<!tpu.dma_semaphore, #tpu.memory_space<semaphore_mem>>) src(%dma_wait3A_54 : memref<2000000x64xf32, #tpu.memory_space<hbm>>) dst(%arg6 : memref<128x64xf32, #tpu.memory_space<vmem>>)
      %parallel_loop3A = arith.constant 0 : i32
      %parallel_loop3A_55 = arith.constant 128 : i32
      %parallel_loop3A_56 = arith.constant 1 : i32
      scf.for %parallel_loop3A_436 = %parallel_loop3A to %parallel_loop3A_55 step %parallel_loop3A_56  : i32 {
        %parallel_loop3A_437 = vector.broadcast %parallel_loop3A_436 : i32 to vector<16xi32>
        %parallel_loop3A_438 = arith.index_cast %parallel_loop3A_436 : i32 to index
        %parallel_loop3A_439 = arith.constant 0 : index
        %parallel_loop3A_440 = tpu.vector_load %arg6[%parallel_loop3A_438, %parallel_loop3A_439] {strides = array<i32>} : memref<128x64xf32, #tpu.memory_space<vmem>>, vector<16xf32>,
        %parallel_loop3A_441 = arith.constant 0 : i32
        %parallel_loop3A_442 = vector.broadcast %parallel_loop3A_441 : i32 to vector<16xi32>
        %parallel_loop3A_443 = arith.addi %parallel_loop3A_442, %iota3A : vector<16xi32>
        tpu.vector_store_idx %arg8[%parallel_loop3A_443, %parallel_loop3A_437], %parallel_loop3A_440 : memref<64x129xf32, #tpu.memory_space<vmem>>[vector<16xi32>, vector<16xi32>], vector<16xf32>,
        %parallel_loop3A_444 = arith.index_cast %parallel_loop3A_436 : i32 to index
        %parallel_loop3A_445 = arith.constant 16 : index
        %parallel_loop3A_446 = tpu.vector_load %arg6[%parallel_loop3A_444, %parallel_loop3A_445] {strides = array<i32>} : memref<128x64xf32, #tpu.memory_space<vmem>>, vector<16xf32>,
        %parallel_loop3A_447 = arith.constant 16 : i32
        %parallel_loop3A_448 = vector.broadcast %parallel_loop3A_447 : i32 to vector<16xi32>
        %parallel_loop3A_449 = arith.addi %parallel_loop3A_448, %iota3A : vector<16xi32>
        tpu.vector_store_idx %arg8[%parallel_loop3A_449, %parallel_loop3A_437], %parallel_loop3A_446 : memref<64x129xf32, #tpu.memory_space<vmem>>[vector<16xi32>, vector<16xi32>], vector<16xf32>,
        %parallel_loop3A_450 = arith.index_cast %parallel_loop3A_436 : i32 to index
        %parallel_loop3A_451 = arith.constant 32 : index
        %parallel_loop3A_452 = tpu.vector_load %arg6[%parallel_loop3A_450, %parallel_loop3A_451] {strides = array<i32>} : memref<128x64xf32, #tpu.memory_space<vmem>>, vector<16xf32>,
        %parallel_loop3A_453 = arith.constant 32 : i32
        %parallel_loop3A_454 = vector.broadcast %parallel_loop3A_453 : i32 to vector<16xi32>
        %parallel_loop3A_455 = arith.addi %parallel_loop3A_454, %iota3A : vector<16xi32>
        tpu.vector_store_idx %arg8[%parallel_loop3A_455, %parallel_loop3A_437], %parallel_loop3A_452 : memref<64x129xf32, #tpu.memory_space<vmem>>[vector<16xi32>, vector<16xi32>], vector<16xf32>,
        %parallel_loop3A_456 = arith.index_cast %parallel_loop3A_436 : i32 to index
        %parallel_loop3A_457 = arith.constant 48 : index
        %parallel_loop3A_458 = tpu.vector_load %arg6[%parallel_loop3A_456, %parallel_loop3A_457] {strides = array<i32>} : memref<128x64xf32, #tpu.memory_space<vmem>>, vector<16xf32>,
        %parallel_loop3A_459 = arith.constant 48 : i32
        %parallel_loop3A_460 = vector.broadcast %parallel_loop3A_459 : i32 to vector<16xi32>
        %parallel_loop3A_461 = arith.addi %parallel_loop3A_460, %iota3A : vector<16xi32>
        tpu.vector_store_idx %arg8[%parallel_loop3A_461, %parallel_loop3A_437], %parallel_loop3A_458 : memref<64x129xf32, #tpu.memory_space<vmem>>[vector<16xi32>, vector<16xi32>], vector<16xf32>,
      } {sc.loop_unroll_factor = 8 : i64, sc.parallel_access}
      %mul3A_57 = arith.constant 200 : i32
      %mul3A_58 = arith.muli %add3A, %mul3A_57 : i32
      %add3A_59 = arith.addi %mul3A_58, %add3A_39 : i32
      %jit3A = arith.constant 32 : i32
      %div3A = arith.divsi %add3A_59, %jit3A : i32
      %sign3A = arith.constant 0 : i32
      %sign3A_60 = arith.cmpi sgt, %add3A_59, %sign3A : i32
      %sign3A_61 = arith.extui %sign3A_60 : i1 to i32
      %sign3A_62 = arith.constant 0 : i32
      %sign3A_63 = arith.cmpi slt, %add3A_59, %sign3A_62 : i32
      %sign3A_64 = arith.extui %sign3A_63 : i1 to i32
      %sign3A_65 = arith.subi %sign3A_61, %sign3A_64 : i32
      %sign3A_66 = arith.constant 0 : i32
      %sign3A_67 = arith.cmpi sgt, %jit3A, %sign3A_66 : i32
      %sign3A_68 = arith.extui %sign3A_67 : i1 to i32
      %sign3A_69 = arith.constant 0 : i32
      %sign3A_70 = arith.cmpi slt, %jit3A, %sign3A_69 : i32
      %sign3A_71 = arith.extui %sign3A_70 : i1 to i32
      %sign3A_72 = arith.subi %sign3A_68, %sign3A_71 : i32
      %ne3A = arith.cmpi ne, %sign3A_65, %sign3A_72 : i32
      %rem3A = arith.remsi %add3A_59, %jit3A : i32
      %ne3A_73 = arith.constant 0 : i32
      %ne3A_74 = arith.cmpi ne, %rem3A, %ne3A_73 : i32
      %and3A = arith.andi %ne3A, %ne3A_74 : i1
      %sub3A = arith.constant 1 : i32
      %sub3A_75 = arith.subi %div3A, %sub3A : i32
      %select_n3A = arith.select %and3A, %sub3A_75, %div3A : i32
      %mul3A_76 = arith.constant 32 : i32
      %mul3A_77 = arith.muli %select_n3A, %mul3A_76 : i32
      %sub3A_78 = arith.subi %add3A_59, %mul3A_77 : i32
      %mul3A_79 = arith.constant 8 : i32
      %mul3A_80 = arith.muli %select_n3A, %mul3A_79 : i32
      %add3A_81 = arith.constant 0 : i32
      %add3A_82 = arith.addi %mul3A_80, %add3A_81 : i32
      %mul3A_83 = arith.constant 32 : i32
      %mul3A_84 = arith.muli %add3A_82, %mul3A_83 : i32
      %add3A_85 = arith.addi %mul3A_84, %sub3A_78 : i32
      %mul3A_86 = arith.constant 8 : i32
      %mul3A_87 = arith.muli %add3A_85, %mul3A_86 : i32
      %dma_start3A_88 = arith.constant 0 : i32
      %dma_start3A_89 = arith.constant 0 : i32
      %dma_start3A_90 = tpu.memref_slice %arg8[%dma_start3A_88, %dma_start3A_89] : memref<64x129xf32, #tpu.memory_space<vmem>> -> memref<8x128xf32, #tpu.memory_space<vmem>>
      %dma_start3A_91 = arith.constant 0 : i32
      %dma_start3A_92 = tpu.memref_slice %arg4[%mul3A_87, %dma_start3A_91] : memref<409600x128xf32, #tpu.memory_space<hbm>> -> memref<8x128xf32, #tpu.memory_space<hbm>>
      %dma_start3A_93 = arith.constant 0 : i32
      %dma_start3A_94 = tpu.memref_slice %arg4[%mul3A_87, %dma_start3A_93] : memref<409600x128xf32, #tpu.memory_space<hbm>> -> memref<8x128xf32, #tpu.memory_space<hbm>>
      %dma_start3A_95 = arith.constant 0 : i32
      %dma_start3A_96 = arith.constant 0 : i32
      %dma_start3A_97 = tpu.memref_slice %arg8[%dma_start3A_95, %dma_start3A_96] : memref<64x129xf32, #tpu.memory_space<vmem>> -> memref<8x128xf32, #tpu.memory_space<vmem>>
      tpu.enqueue_dma source(%dma_start3A_97 : memref<8x128xf32, #tpu.memory_space<vmem>>) target(%dma_start3A_94 : memref<8x128xf32, #tpu.memory_space<hbm>>) target_semaphore(%arg12 : memref<!tpu.dma_semaphore, #tpu.memory_space<semaphore_mem>>)
      %mul3A_98 = arith.constant 8 : i32
      %mul3A_99 = arith.muli %select_n3A, %mul3A_98 : i32
      %add3A_100 = arith.constant 1 : i32
      %add3A_101 = arith.addi %mul3A_99, %add3A_100 : i32
      %mul3A_102 = arith.constant 32 : i32
      %mul3A_103 = arith.muli %add3A_101, %mul3A_102 : i32
      %add3A_104 = arith.addi %mul3A_103, %sub3A_78 : i32
      %mul3A_105 = arith.constant 8 : i32
      %mul3A_106 = arith.muli %add3A_104, %mul3A_105 : i32
      %dma_start3A_107 = arith.constant 8 : i32
      %dma_start3A_108 = arith.constant 0 : i32
      %dma_start3A_109 = tpu.memref_slice %arg8[%dma_start3A_107, %dma_start3A_108] : memref<64x129xf32, #tpu.memory_space<vmem>> -> memref<8x128xf32, #tpu.memory_space<vmem>>
      %dma_start3A_110 = arith.constant 0 : i32
      %dma_start3A_111 = tpu.memref_slice %arg4[%mul3A_106, %dma_start3A_110] : memref<409600x128xf32, #tpu.memory_space<hbm>> -> memref<8x128xf32, #tpu.memory_space<hbm>>
      %dma_start3A_112 = arith.constant 0 : i32
      %dma_start3A_113 = tpu.memref_slice %arg4[%mul3A_106, %dma_start3A_112] : memref<409600x128xf32, #tpu.memory_space<hbm>> -> memref<8x128xf32, #tpu.memory_space<hbm>>
      %dma_start3A_114 = arith.constant 8 : i32
      %dma_start3A_115 = arith.constant 0 : i32
      %dma_start3A_116 = tpu.memref_slice %arg8[%dma_start3A_114, %dma_start3A_115] : memref<64x129xf32, #tpu.memory_space<vmem>> -> memref<8x128xf32, #tpu.memory_space<vmem>>
      tpu.enqueue_dma source(%dma_start3A_116 : memref<8x128xf32, #tpu.memory_space<vmem>>) target(%dma_start3A_113 : memref<8x128xf32, #tpu.memory_space<hbm>>) target_semaphore(%arg12 : memref<!tpu.dma_semaphore, #tpu.memory_space<semaphore_mem>>)
      %mul3A_117 = arith.constant 8 : i32
      %mul3A_118 = arith.muli %select_n3A, %mul3A_117 : i32
      %add3A_119 = arith.constant 2 : i32
      %add3A_120 = arith.addi %mul3A_118, %add3A_119 : i32
      %mul3A_121 = arith.constant 32 : i32
      %mul3A_122 = arith.muli %add3A_120, %mul3A_121 : i32
      %add3A_123 = arith.addi %mul3A_122, %sub3A_78 : i32
      %mul3A_124 = arith.constant 8 : i32
      %mul3A_125 = arith.muli %add3A_123, %mul3A_124 : i32
      %dma_start3A_126 = arith.constant 16 : i32
      %dma_start3A_127 = arith.constant 0 : i32
      %dma_start3A_128 = tpu.memref_slice %arg8[%dma_start3A_126, %dma_start3A_127] : memref<64x129xf32, #tpu.memory_space<vmem>> -> memref<8x128xf32, #tpu.memory_space<vmem>>
      %dma_start3A_129 = arith.constant 0 : i32
      %dma_start3A_130 = tpu.memref_slice %arg4[%mul3A_125, %dma_start3A_129] : memref<409600x128xf32, #tpu.memory_space<hbm>> -> memref<8x128xf32, #tpu.memory_space<hbm>>
      %dma_start3A_131 = arith.constant 0 : i32
      %dma_start3A_132 = tpu.memref_slice %arg4[%mul3A_125, %dma_start3A_131] : memref<409600x128xf32, #tpu.memory_space<hbm>> -> memref<8x128xf32, #tpu.memory_space<hbm>>
      %dma_start3A_133 = arith.constant 16 : i32
      %dma_start3A_134 = arith.constant 0 : i32
      %dma_start3A_135 = tpu.memref_slice %arg8[%dma_start3A_133, %dma_start3A_134] : memref<64x129xf32, #tpu.memory_space<vmem>> -> memref<8x128xf32, #tpu.memory_space<vmem>>
      tpu.enqueue_dma source(%dma_start3A_135 : memref<8x128xf32, #tpu.memory_space<vmem>>) target(%dma_start3A_132 : memref<8x128xf32, #tpu.memory_space<hbm>>) target_semaphore(%arg12 : memref<!tpu.dma_semaphore, #tpu.memory_space<semaphore_mem>>)
      %mul3A_136 = arith.constant 8 : i32
      %mul3A_137 = arith.muli %select_n3A, %mul3A_136 : i32
      %add3A_138 = arith.constant 3 : i32
      %add3A_139 = arith.addi %mul3A_137, %add3A_138 : i32
      %mul3A_140 = arith.constant 32 : i32
      %mul3A_141 = arith.muli %add3A_139, %mul3A_140 : i32
      %add3A_142 = arith.addi %mul3A_141, %sub3A_78 : i32
      %mul3A_143 = arith.constant 8 : i32
      %mul3A_144 = arith.muli %add3A_142, %mul3A_143 : i32
      %dma_start3A_145 = arith.constant 24 : i32
      %dma_start3A_146 = arith.constant 0 : i32
      %dma_start3A_147 = tpu.memref_slice %arg8[%dma_start3A_145, %dma_start3A_146] : memref<64x129xf32, #tpu.memory_space<vmem>> -> memref<8x128xf32, #tpu.memory_space<vmem>>
      %dma_start3A_148 = arith.constant 0 : i32
      %dma_start3A_149 = tpu.memref_slice %arg4[%mul3A_144, %dma_start3A_148] : memref<409600x128xf32, #tpu.memory_space<hbm>> -> memref<8x128xf32, #tpu.memory_space<hbm>>
      %dma_start3A_150 = arith.constant 0 : i32
      %dma_start3A_151 = tpu.memref_slice %arg4[%mul3A_144, %dma_start3A_150] : memref<409600x128xf32, #tpu.memory_space<hbm>> -> memref<8x128xf32, #tpu.memory_space<hbm>>
      %dma_start3A_152 = arith.constant 24 : i32
      %dma_start3A_153 = arith.constant 0 : i32
      %dma_start3A_154 = tpu.memref_slice %arg8[%dma_start3A_152, %dma_start3A_153] : memref<64x129xf32, #tpu.memory_space<vmem>> -> memref<8x128xf32, #tpu.memory_space<vmem>>
      tpu.enqueue_dma source(%dma_start3A_154 : memref<8x128xf32, #tpu.memory_space<vmem>>) target(%dma_start3A_151 : memref<8x128xf32, #tpu.memory_space<hbm>>) target_semaphore(%arg12 : memref<!tpu.dma_semaphore, #tpu.memory_space<semaphore_mem>>)
      %mul3A_155 = arith.constant 8 : i32
      %mul3A_156 = arith.muli %select_n3A, %mul3A_155 : i32
      %add3A_157 = arith.constant 4 : i32
      %add3A_158 = arith.addi %mul3A_156, %add3A_157 : i32
      %mul3A_159 = arith.constant 32 : i32
      %mul3A_160 = arith.muli %add3A_158, %mul3A_159 : i32
      %add3A_161 = arith.addi %mul3A_160, %sub3A_78 : i32
      %mul3A_162 = arith.constant 8 : i32
      %mul3A_163 = arith.muli %add3A_161, %mul3A_162 : i32
      %dma_start3A_164 = arith.constant 32 : i32
      %dma_start3A_165 = arith.constant 0 : i32
      %dma_start3A_166 = tpu.memref_slice %arg8[%dma_start3A_164, %dma_start3A_165] : memref<64x129xf32, #tpu.memory_space<vmem>> -> memref<8x128xf32, #tpu.memory_space<vmem>>
      %dma_start3A_167 = arith.constant 0 : i32
      %dma_start3A_168 = tpu.memref_slice %arg4[%mul3A_163, %dma_start3A_167] : memref<409600x128xf32, #tpu.memory_space<hbm>> -> memref<8x128xf32, #tpu.memory_space<hbm>>
      %dma_start3A_169 = arith.constant 0 : i32
      %dma_start3A_170 = tpu.memref_slice %arg4[%mul3A_163, %dma_start3A_169] : memref<409600x128xf32, #tpu.memory_space<hbm>> -> memref<8x128xf32, #tpu.memory_space<hbm>>
      %dma_start3A_171 = arith.constant 32 : i32
      %dma_start3A_172 = arith.constant 0 : i32
      %dma_start3A_173 = tpu.memref_slice %arg8[%dma_start3A_171, %dma_start3A_172] : memref<64x129xf32, #tpu.memory_space<vmem>> -> memref<8x128xf32, #tpu.memory_space<vmem>>
      tpu.enqueue_dma source(%dma_start3A_173 : memref<8x128xf32, #tpu.memory_space<vmem>>) target(%dma_start3A_170 : memref<8x128xf32, #tpu.memory_space<hbm>>) target_semaphore(%arg12 : memref<!tpu.dma_semaphore, #tpu.memory_space<semaphore_mem>>)
      %mul3A_174 = arith.constant 8 : i32
      %mul3A_175 = arith.muli %select_n3A, %mul3A_174 : i32
      %add3A_176 = arith.constant 5 : i32
      %add3A_177 = arith.addi %mul3A_175, %add3A_176 : i32
      %mul3A_178 = arith.constant 32 : i32
      %mul3A_179 = arith.muli %add3A_177, %mul3A_178 : i32
      %add3A_180 = arith.addi %mul3A_179, %sub3A_78 : i32
      %mul3A_181 = arith.constant 8 : i32
      %mul3A_182 = arith.muli %add3A_180, %mul3A_181 : i32
      %dma_start3A_183 = arith.constant 40 : i32
      %dma_start3A_184 = arith.constant 0 : i32
      %dma_start3A_185 = tpu.memref_slice %arg8[%dma_start3A_183, %dma_start3A_184] : memref<64x129xf32, #tpu.memory_space<vmem>> -> memref<8x128xf32, #tpu.memory_space<vmem>>
      %dma_start3A_186 = arith.constant 0 : i32
      %dma_start3A_187 = tpu.memref_slice %arg4[%mul3A_182, %dma_start3A_186] : memref<409600x128xf32, #tpu.memory_space<hbm>> -> memref<8x128xf32, #tpu.memory_space<hbm>>
      %dma_start3A_188 = arith.constant 0 : i32
      %dma_start3A_189 = tpu.memref_slice %arg4[%mul3A_182, %dma_start3A_188] : memref<409600x128xf32, #tpu.memory_space<hbm>> -> memref<8x128xf32, #tpu.memory_space<hbm>>
      %dma_start3A_190 = arith.constant 40 : i32
      %dma_start3A_191 = arith.constant 0 : i32
      %dma_start3A_192 = tpu.memref_slice %arg8[%dma_start3A_190, %dma_start3A_191] : memref<64x129xf32, #tpu.memory_space<vmem>> -> memref<8x128xf32, #tpu.memory_space<vmem>>
      tpu.enqueue_dma source(%dma_start3A_192 : memref<8x128xf32, #tpu.memory_space<vmem>>) target(%dma_start3A_189 : memref<8x128xf32, #tpu.memory_space<hbm>>) target_semaphore(%arg12 : memref<!tpu.dma_semaphore, #tpu.memory_space<semaphore_mem>>)
      %mul3A_193 = arith.constant 8 : i32
      %mul3A_194 = arith.muli %select_n3A, %mul3A_193 : i32
      %add3A_195 = arith.constant 6 : i32
      %add3A_196 = arith.addi %mul3A_194, %add3A_195 : i32
      %mul3A_197 = arith.constant 32 : i32
      %mul3A_198 = arith.muli %add3A_196, %mul3A_197 : i32
      %add3A_199 = arith.addi %mul3A_198, %sub3A_78 : i32
      %mul3A_200 = arith.constant 8 : i32
      %mul3A_201 = arith.muli %add3A_199, %mul3A_200 : i32
      %dma_start3A_202 = arith.constant 48 : i32
      %dma_start3A_203 = arith.constant 0 : i32
      %dma_start3A_204 = tpu.memref_slice %arg8[%dma_start3A_202, %dma_start3A_203] : memref<64x129xf32, #tpu.memory_space<vmem>> -> memref<8x128xf32, #tpu.memory_space<vmem>>
      %dma_start3A_205 = arith.constant 0 : i32
      %dma_start3A_206 = tpu.memref_slice %arg4[%mul3A_201, %dma_start3A_205] : memref<409600x128xf32, #tpu.memory_space<hbm>> -> memref<8x128xf32, #tpu.memory_space<hbm>>
      %dma_start3A_207 = arith.constant 0 : i32
      %dma_start3A_208 = tpu.memref_slice %arg4[%mul3A_201, %dma_start3A_207] : memref<409600x128xf32, #tpu.memory_space<hbm>> -> memref<8x128xf32, #tpu.memory_space<hbm>>
      %dma_start3A_209 = arith.constant 48 : i32
      %dma_start3A_210 = arith.constant 0 : i32
      %dma_start3A_211 = tpu.memref_slice %arg8[%dma_start3A_209, %dma_start3A_210] : memref<64x129xf32, #tpu.memory_space<vmem>> -> memref<8x128xf32, #tpu.memory_space<vmem>>
      tpu.enqueue_dma source(%dma_start3A_211 : memref<8x128xf32, #tpu.memory_space<vmem>>) target(%dma_start3A_208 : memref<8x128xf32, #tpu.memory_space<hbm>>) target_semaphore(%arg12 : memref<!tpu.dma_semaphore, #tpu.memory_space<semaphore_mem>>)
      %mul3A_212 = arith.constant 8 : i32
      %mul3A_213 = arith.muli %select_n3A, %mul3A_212 : i32
      %add3A_214 = arith.constant 7 : i32
      %add3A_215 = arith.addi %mul3A_213, %add3A_214 : i32
      %mul3A_216 = arith.constant 32 : i32
      %mul3A_217 = arith.muli %add3A_215, %mul3A_216 : i32
      %add3A_218 = arith.addi %mul3A_217, %sub3A_78 : i32
      %mul3A_219 = arith.constant 8 : i32
      %mul3A_220 = arith.muli %add3A_218, %mul3A_219 : i32
      %dma_start3A_221 = arith.constant 56 : i32
      %dma_start3A_222 = arith.constant 0 : i32
      %dma_start3A_223 = tpu.memref_slice %arg8[%dma_start3A_221, %dma_start3A_222] : memref<64x129xf32, #tpu.memory_space<vmem>> -> memref<8x128xf32, #tpu.memory_space<vmem>>
      %dma_start3A_224 = arith.constant 0 : i32
      %dma_start3A_225 = tpu.memref_slice %arg4[%mul3A_220, %dma_start3A_224] : memref<409600x128xf32, #tpu.memory_space<hbm>> -> memref<8x128xf32, #tpu.memory_space<hbm>>
      %dma_start3A_226 = arith.constant 0 : i32
      %dma_start3A_227 = tpu.memref_slice %arg4[%mul3A_220, %dma_start3A_226] : memref<409600x128xf32, #tpu.memory_space<hbm>> -> memref<8x128xf32, #tpu.memory_space<hbm>>
      %dma_start3A_228 = arith.constant 56 : i32
      %dma_start3A_229 = arith.constant 0 : i32
      %dma_start3A_230 = tpu.memref_slice %arg8[%dma_start3A_228, %dma_start3A_229] : memref<64x129xf32, #tpu.memory_space<vmem>> -> memref<8x128xf32, #tpu.memory_space<vmem>>
      tpu.enqueue_dma source(%dma_start3A_230 : memref<8x128xf32, #tpu.memory_space<vmem>>) target(%dma_start3A_227 : memref<8x128xf32, #tpu.memory_space<hbm>>) target_semaphore(%arg12 : memref<!tpu.dma_semaphore, #tpu.memory_space<semaphore_mem>>)
      %mul3A_231 = arith.constant 2 : i32
      %mul3A_232 = arith.muli %scan3A_35, %mul3A_231 : i32
      %add3A_233 = arith.constant 1 : i32
      %add3A_234 = arith.addi %mul3A_232, %add3A_233 : i32
      %add3A_235 = arith.constant 1 : i32
      %add3A_236 = arith.addi %add3A_234, %add3A_235 : i32
      %lt3A = arith.constant 200 : i32
      %lt3A_237 = arith.cmpi slt, %add3A_236, %lt3A : i32
      %convert_element_type3A_238 = arith.extui %lt3A_237 : i1 to i32
      %cond3A_239 = arith.constant 0 : i32
      %cond3A_240 = arith.cmpi ne, %convert_element_type3A_238, %cond3A_239 : i32
      scf.if %cond3A_240 {
        %add3A_436 = arith.constant 1 : i32
        %add3A_437 = arith.addi %add3A_234, %add3A_436 : i32
        %mul3A_438 = arith.constant 128 : i32
        %mul3A_439 = arith.muli %add3A_437, %mul3A_438 : i32
        %dma_start3A_440 = tpu.memref_slice %arg5[%mul3A_439] : memref<25600xi32, #tpu.memory_space<vmem>> -> memref<128xi32, #tpu.memory_space<vmem>>
        %dma_start3A_441 = arith.constant 0 : i32
        %dma_start3A_442 = arith.constant 0 : i32
        %dma_start3A_443 = tpu.memref_slice %arg3[%dma_start3A_441, %dma_start3A_442] : memref<2000000x64xf32, #tpu.memory_space<hbm>> -> memref<2000000x64xf32, #tpu.memory_space<hbm>>
        tpu.enqueue_indirect_dma source(%dma_start3A_443 : memref<2000000x64xf32, #tpu.memory_space<hbm>>) target(%arg6 : memref<128x64xf32, #tpu.memory_space<vmem>>) offsets(%dma_start3A_440 : memref<128xi32, #tpu.memory_space<vmem>>) semaphore(%arg10 : memref<!tpu.dma_semaphore, #tpu.memory_space<semaphore_mem>>)
      } else {
      }
      %ge3A_241 = arith.constant 1 : i32
      %ge3A_242 = arith.cmpi sge, %scan3A_35, %ge3A_241 : i32
      %convert_element_type3A_243 = arith.extui %ge3A_242 : i1 to i32
      %cond3A_244 = arith.constant 0 : i32
      %cond3A_245 = arith.cmpi ne, %convert_element_type3A_243, %cond3A_244 : i32
      scf.if %cond3A_245 {
        %dma_wait3A_436 = arith.constant 0 : i32
        %dma_wait3A_437 = arith.constant 0 : i32
        %dma_wait3A_438 = tpu.memref_slice %arg9[%dma_wait3A_436, %dma_wait3A_437] : memref<64x129xf32, #tpu.memory_space<vmem>> -> memref<64x128xf32, #tpu.memory_space<vmem>>
        %dma_wait3A_439 = arith.constant 0 : i32
        %dma_wait3A_440 = arith.constant 0 : i32
        %dma_wait3A_441 = tpu.memref_slice %arg4[%dma_wait3A_439, %dma_wait3A_440] : memref<409600x128xf32, #tpu.memory_space<hbm>> -> memref<64x128xf32, #tpu.memory_space<hbm>>
        %dma_wait3A_442 = arith.constant 0 : i32
        %dma_wait3A_443 = arith.constant 0 : i32
        %dma_wait3A_444 = tpu.memref_slice %arg4[%dma_wait3A_442, %dma_wait3A_443] : memref<409600x128xf32, #tpu.memory_space<hbm>> -> memref<64x128xf32, #tpu.memory_space<hbm>>
        %dma_wait3A_445 = arith.constant 0 : i32
        %dma_wait3A_446 = arith.constant 0 : i32
        %dma_wait3A_447 = tpu.memref_slice %arg9[%dma_wait3A_445, %dma_wait3A_446] : memref<64x129xf32, #tpu.memory_space<vmem>> -> memref<64x128xf32, #tpu.memory_space<vmem>>
        tpu.wait_dma2 semaphore(%arg13 : memref<!tpu.dma_semaphore, #tpu.memory_space<semaphore_mem>>) src(%dma_wait3A_447 : memref<64x128xf32, #tpu.memory_space<vmem>>) dst(%dma_wait3A_444 : memref<64x128xf32, #tpu.memory_space<hbm>>)
      } else {
      }
      %dma_wait3A_246 = arith.constant 0 : i32
      %dma_wait3A_247 = tpu.memref_slice %arg5[%dma_wait3A_246] : memref<25600xi32, #tpu.memory_space<vmem>> -> memref<128xi32, #tpu.memory_space<vmem>>
      %dma_wait3A_248 = arith.constant 0 : i32
      %dma_wait3A_249 = arith.constant 0 : i32
      %dma_wait3A_250 = tpu.memref_slice %arg3[%dma_wait3A_248, %dma_wait3A_249] : memref<2000000x64xf32, #tpu.memory_space<hbm>> -> memref<2000000x64xf32, #tpu.memory_space<hbm>>
      tpu.wait_indirect_dma semaphore(%arg11 : memref<!tpu.dma_semaphore, #tpu.memory_space<semaphore_mem>>) src(%dma_wait3A_250 : memref<2000000x64xf32, #tpu.memory_space<hbm>>) dst(%arg7 : memref<128x64xf32, #tpu.memory_space<vmem>>)
      %parallel_loop3A_251 = arith.constant 0 : i32
      %parallel_loop3A_252 = arith.constant 128 : i32
      %parallel_loop3A_253 = arith.constant 1 : i32
      scf.for %parallel_loop3A_436 = %parallel_loop3A_251 to %parallel_loop3A_252 step %parallel_loop3A_253  : i32 {
        %parallel_loop3A_437 = vector.broadcast %parallel_loop3A_436 : i32 to vector<16xi32>
        %parallel_loop3A_438 = arith.index_cast %parallel_loop3A_436 : i32 to index
        %parallel_loop3A_439 = arith.constant 0 : index
        %parallel_loop3A_440 = tpu.vector_load %arg7[%parallel_loop3A_438, %parallel_loop3A_439] {strides = array<i32>} : memref<128x64xf32, #tpu.memory_space<vmem>>, vector<16xf32>,
        %parallel_loop3A_441 = arith.constant 0 : i32
        %parallel_loop3A_442 = vector.broadcast %parallel_loop3A_441 : i32 to vector<16xi32>
        %parallel_loop3A_443 = arith.addi %parallel_loop3A_442, %iota3A : vector<16xi32>
        tpu.vector_store_idx %arg9[%parallel_loop3A_443, %parallel_loop3A_437], %parallel_loop3A_440 : memref<64x129xf32, #tpu.memory_space<vmem>>[vector<16xi32>, vector<16xi32>], vector<16xf32>,
        %parallel_loop3A_444 = arith.index_cast %parallel_loop3A_436 : i32 to index
        %parallel_loop3A_445 = arith.constant 16 : index
        %parallel_loop3A_446 = tpu.vector_load %arg7[%parallel_loop3A_444, %parallel_loop3A_445] {strides = array<i32>} : memref<128x64xf32, #tpu.memory_space<vmem>>, vector<16xf32>,
        %parallel_loop3A_447 = arith.constant 16 : i32
        %parallel_loop3A_448 = vector.broadcast %parallel_loop3A_447 : i32 to vector<16xi32>
        %parallel_loop3A_449 = arith.addi %parallel_loop3A_448, %iota3A : vector<16xi32>
        tpu.vector_store_idx %arg9[%parallel_loop3A_449, %parallel_loop3A_437], %parallel_loop3A_446 : memref<64x129xf32, #tpu.memory_space<vmem>>[vector<16xi32>, vector<16xi32>], vector<16xf32>,
        %parallel_loop3A_450 = arith.index_cast %parallel_loop3A_436 : i32 to index
        %parallel_loop3A_451 = arith.constant 32 : index
        %parallel_loop3A_452 = tpu.vector_load %arg7[%parallel_loop3A_450, %parallel_loop3A_451] {strides = array<i32>} : memref<128x64xf32, #tpu.memory_space<vmem>>, vector<16xf32>,
        %parallel_loop3A_453 = arith.constant 32 : i32
        %parallel_loop3A_454 = vector.broadcast %parallel_loop3A_453 : i32 to vector<16xi32>
        %parallel_loop3A_455 = arith.addi %parallel_loop3A_454, %iota3A : vector<16xi32>
        tpu.vector_store_idx %arg9[%parallel_loop3A_455, %parallel_loop3A_437], %parallel_loop3A_452 : memref<64x129xf32, #tpu.memory_space<vmem>>[vector<16xi32>, vector<16xi32>], vector<16xf32>,
        %parallel_loop3A_456 = arith.index_cast %parallel_loop3A_436 : i32 to index
        %parallel_loop3A_457 = arith.constant 48 : index
        %parallel_loop3A_458 = tpu.vector_load %arg7[%parallel_loop3A_456, %parallel_loop3A_457] {strides = array<i32>} : memref<128x64xf32, #tpu.memory_space<vmem>>, vector<16xf32>,
        %parallel_loop3A_459 = arith.constant 48 : i32
        %parallel_loop3A_460 = vector.broadcast %parallel_loop3A_459 : i32 to vector<16xi32>
        %parallel_loop3A_461 = arith.addi %parallel_loop3A_460, %iota3A : vector<16xi32>
        tpu.vector_store_idx %arg9[%parallel_loop3A_461, %parallel_loop3A_437], %parallel_loop3A_458 : memref<64x129xf32, #tpu.memory_space<vmem>>[vector<16xi32>, vector<16xi32>], vector<16xf32>,
      } {sc.loop_unroll_factor = 8 : i64, sc.parallel_access}
      %mul3A_254 = arith.constant 200 : i32
      %mul3A_255 = arith.muli %add3A, %mul3A_254 : i32
      %add3A_256 = arith.addi %mul3A_255, %add3A_234 : i32
      %jit3A_257 = arith.constant 32 : i32
      %div3A_258 = arith.divsi %add3A_256, %jit3A_257 : i32
      %sign3A_259 = arith.constant 0 : i32
      %sign3A_260 = arith.cmpi sgt, %add3A_256, %sign3A_259 : i32
      %sign3A_261 = arith.extui %sign3A_260 : i1 to i32
      %sign3A_262 = arith.constant 0 : i32
      %sign3A_263 = arith.cmpi slt, %add3A_256, %sign3A_262 : i32
      %sign3A_264 = arith.extui %sign3A_263 : i1 to i32
      %sign3A_265 = arith.subi %sign3A_261, %sign3A_264 : i32
      %sign3A_266 = arith.constant 0 : i32
      %sign3A_267 = arith.cmpi sgt, %jit3A_257, %sign3A_266 : i32
      %sign3A_268 = arith.extui %sign3A_267 : i1 to i32
      %sign3A_269 = arith.constant 0 : i32
      %sign3A_270 = arith.cmpi slt, %jit3A_257, %sign3A_269 : i32
      %sign3A_271 = arith.extui %sign3A_270 : i1 to i32
      %sign3A_272 = arith.subi %sign3A_268, %sign3A_271 : i32
      %ne3A_273 = arith.cmpi ne, %sign3A_265, %sign3A_272 : i32
      %rem3A_274 = arith.remsi %add3A_256, %jit3A_257 : i32
      %ne3A_275 = arith.constant 0 : i32
      %ne3A_276 = arith.cmpi ne, %rem3A_274, %ne3A_275 : i32
      %and3A_277 = arith.andi %ne3A_273, %ne3A_276 : i1
      %sub3A_278 = arith.constant 1 : i32
      %sub3A_279 = arith.subi %div3A_258, %sub3A_278 : i32
      %select_n3A_280 = arith.select %and3A_277, %sub3A_279, %div3A_258 : i32
      %mul3A_281 = arith.constant 32 : i32
      %mul3A_282 = arith.muli %select_n3A_280, %mul3A_281 : i32
      %sub3A_283 = arith.subi %add3A_256, %mul3A_282 : i32
      %mul3A_284 = arith.constant 8 : i32
      %mul3A_285 = arith.muli %select_n3A_280, %mul3A_284 : i32
      %add3A_286 = arith.constant 0 : i32
      %add3A_287 = arith.addi %mul3A_285, %add3A_286 : i32
      %mul3A_288 = arith.constant 32 : i32
      %mul3A_289 = arith.muli %add3A_287, %mul3A_288 : i32
      %add3A_290 = arith.addi %mul3A_289, %sub3A_283 : i32
      %mul3A_291 = arith.constant 8 : i32
      %mul3A_292 = arith.muli %add3A_290, %mul3A_291 : i32
      %dma_start3A_293 = arith.constant 0 : i32
      %dma_start3A_294 = arith.constant 0 : i32
      %dma_start3A_295 = tpu.memref_slice %arg9[%dma_start3A_293, %dma_start3A_294] : memref<64x129xf32, #tpu.memory_space<vmem>> -> memref<8x128xf32, #tpu.memory_space<vmem>>
      %dma_start3A_296 = arith.constant 0 : i32
      %dma_start3A_297 = tpu.memref_slice %arg4[%mul3A_292, %dma_start3A_296] : memref<409600x128xf32, #tpu.memory_space<hbm>> -> memref<8x128xf32, #tpu.memory_space<hbm>>
      %dma_start3A_298 = arith.constant 0 : i32
      %dma_start3A_299 = tpu.memref_slice %arg4[%mul3A_292, %dma_start3A_298] : memref<409600x128xf32, #tpu.memory_space<hbm>> -> memref<8x128xf32, #tpu.memory_space<hbm>>
      %dma_start3A_300 = arith.constant 0 : i32
      %dma_start3A_301 = arith.constant 0 : i32
      %dma_start3A_302 = tpu.memref_slice %arg9[%dma_start3A_300, %dma_start3A_301] : memref<64x129xf32, #tpu.memory_space<vmem>> -> memref<8x128xf32, #tpu.memory_space<vmem>>
      tpu.enqueue_dma source(%dma_start3A_302 : memref<8x128xf32, #tpu.memory_space<vmem>>) target(%dma_start3A_299 : memref<8x128xf32, #tpu.memory_space<hbm>>) target_semaphore(%arg13 : memref<!tpu.dma_semaphore, #tpu.memory_space<semaphore_mem>>)
      %mul3A_303 = arith.constant 8 : i32
      %mul3A_304 = arith.muli %select_n3A_280, %mul3A_303 : i32
      %add3A_305 = arith.constant 1 : i32
      %add3A_306 = arith.addi %mul3A_304, %add3A_305 : i32
      %mul3A_307 = arith.constant 32 : i32
      %mul3A_308 = arith.muli %add3A_306, %mul3A_307 : i32
      %add3A_309 = arith.addi %mul3A_308, %sub3A_283 : i32
      %mul3A_310 = arith.constant 8 : i32
      %mul3A_311 = arith.muli %add3A_309, %mul3A_310 : i32
      %dma_start3A_312 = arith.constant 8 : i32
      %dma_start3A_313 = arith.constant 0 : i32
      %dma_start3A_314 = tpu.memref_slice %arg9[%dma_start3A_312, %dma_start3A_313] : memref<64x129xf32, #tpu.memory_space<vmem>> -> memref<8x128xf32, #tpu.memory_space<vmem>>
      %dma_start3A_315 = arith.constant 0 : i32
      %dma_start3A_316 = tpu.memref_slice %arg4[%mul3A_311, %dma_start3A_315] : memref<409600x128xf32, #tpu.memory_space<hbm>> -> memref<8x128xf32, #tpu.memory_space<hbm>>
      %dma_start3A_317 = arith.constant 0 : i32
      %dma_start3A_318 = tpu.memref_slice %arg4[%mul3A_311, %dma_start3A_317] : memref<409600x128xf32, #tpu.memory_space<hbm>> -> memref<8x128xf32, #tpu.memory_space<hbm>>
      %dma_start3A_319 = arith.constant 8 : i32
      %dma_start3A_320 = arith.constant 0 : i32
      %dma_start3A_321 = tpu.memref_slice %arg9[%dma_start3A_319, %dma_start3A_320] : memref<64x129xf32, #tpu.memory_space<vmem>> -> memref<8x128xf32, #tpu.memory_space<vmem>>
      tpu.enqueue_dma source(%dma_start3A_321 : memref<8x128xf32, #tpu.memory_space<vmem>>) target(%dma_start3A_318 : memref<8x128xf32, #tpu.memory_space<hbm>>) target_semaphore(%arg13 : memref<!tpu.dma_semaphore, #tpu.memory_space<semaphore_mem>>)
      %mul3A_322 = arith.constant 8 : i32
      %mul3A_323 = arith.muli %select_n3A_280, %mul3A_322 : i32
      %add3A_324 = arith.constant 2 : i32
      %add3A_325 = arith.addi %mul3A_323, %add3A_324 : i32
      %mul3A_326 = arith.constant 32 : i32
      %mul3A_327 = arith.muli %add3A_325, %mul3A_326 : i32
      %add3A_328 = arith.addi %mul3A_327, %sub3A_283 : i32
      %mul3A_329 = arith.constant 8 : i32
      %mul3A_330 = arith.muli %add3A_328, %mul3A_329 : i32
      %dma_start3A_331 = arith.constant 16 : i32
      %dma_start3A_332 = arith.constant 0 : i32
      %dma_start3A_333 = tpu.memref_slice %arg9[%dma_start3A_331, %dma_start3A_332] : memref<64x129xf32, #tpu.memory_space<vmem>> -> memref<8x128xf32, #tpu.memory_space<vmem>>
      %dma_start3A_334 = arith.constant 0 : i32
      %dma_start3A_335 = tpu.memref_slice %arg4[%mul3A_330, %dma_start3A_334] : memref<409600x128xf32, #tpu.memory_space<hbm>> -> memref<8x128xf32, #tpu.memory_space<hbm>>
      %dma_start3A_336 = arith.constant 0 : i32
      %dma_start3A_337 = tpu.memref_slice %arg4[%mul3A_330, %dma_start3A_336] : memref<409600x128xf32, #tpu.memory_space<hbm>> -> memref<8x128xf32, #tpu.memory_space<hbm>>
      %dma_start3A_338 = arith.constant 16 : i32
      %dma_start3A_339 = arith.constant 0 : i32
      %dma_start3A_340 = tpu.memref_slice %arg9[%dma_start3A_338, %dma_start3A_339] : memref<64x129xf32, #tpu.memory_space<vmem>> -> memref<8x128xf32, #tpu.memory_space<vmem>>
      tpu.enqueue_dma source(%dma_start3A_340 : memref<8x128xf32, #tpu.memory_space<vmem>>) target(%dma_start3A_337 : memref<8x128xf32, #tpu.memory_space<hbm>>) target_semaphore(%arg13 : memref<!tpu.dma_semaphore, #tpu.memory_space<semaphore_mem>>)
      %mul3A_341 = arith.constant 8 : i32
      %mul3A_342 = arith.muli %select_n3A_280, %mul3A_341 : i32
      %add3A_343 = arith.constant 3 : i32
      %add3A_344 = arith.addi %mul3A_342, %add3A_343 : i32
      %mul3A_345 = arith.constant 32 : i32
      %mul3A_346 = arith.muli %add3A_344, %mul3A_345 : i32
      %add3A_347 = arith.addi %mul3A_346, %sub3A_283 : i32
      %mul3A_348 = arith.constant 8 : i32
      %mul3A_349 = arith.muli %add3A_347, %mul3A_348 : i32
      %dma_start3A_350 = arith.constant 24 : i32
      %dma_start3A_351 = arith.constant 0 : i32
      %dma_start3A_352 = tpu.memref_slice %arg9[%dma_start3A_350, %dma_start3A_351] : memref<64x129xf32, #tpu.memory_space<vmem>> -> memref<8x128xf32, #tpu.memory_space<vmem>>
      %dma_start3A_353 = arith.constant 0 : i32
      %dma_start3A_354 = tpu.memref_slice %arg4[%mul3A_349, %dma_start3A_353] : memref<409600x128xf32, #tpu.memory_space<hbm>> -> memref<8x128xf32, #tpu.memory_space<hbm>>
      %dma_start3A_355 = arith.constant 0 : i32
      %dma_start3A_356 = tpu.memref_slice %arg4[%mul3A_349, %dma_start3A_355] : memref<409600x128xf32, #tpu.memory_space<hbm>> -> memref<8x128xf32, #tpu.memory_space<hbm>>
      %dma_start3A_357 = arith.constant 24 : i32
      %dma_start3A_358 = arith.constant 0 : i32
      %dma_start3A_359 = tpu.memref_slice %arg9[%dma_start3A_357, %dma_start3A_358] : memref<64x129xf32, #tpu.memory_space<vmem>> -> memref<8x128xf32, #tpu.memory_space<vmem>>
      tpu.enqueue_dma source(%dma_start3A_359 : memref<8x128xf32, #tpu.memory_space<vmem>>) target(%dma_start3A_356 : memref<8x128xf32, #tpu.memory_space<hbm>>) target_semaphore(%arg13 : memref<!tpu.dma_semaphore, #tpu.memory_space<semaphore_mem>>)
      %mul3A_360 = arith.constant 8 : i32
      %mul3A_361 = arith.muli %select_n3A_280, %mul3A_360 : i32
      %add3A_362 = arith.constant 4 : i32
      %add3A_363 = arith.addi %mul3A_361, %add3A_362 : i32
      %mul3A_364 = arith.constant 32 : i32
      %mul3A_365 = arith.muli %add3A_363, %mul3A_364 : i32
      %add3A_366 = arith.addi %mul3A_365, %sub3A_283 : i32
      %mul3A_367 = arith.constant 8 : i32
      %mul3A_368 = arith.muli %add3A_366, %mul3A_367 : i32
      %dma_start3A_369 = arith.constant 32 : i32
      %dma_start3A_370 = arith.constant 0 : i32
      %dma_start3A_371 = tpu.memref_slice %arg9[%dma_start3A_369, %dma_start3A_370] : memref<64x129xf32, #tpu.memory_space<vmem>> -> memref<8x128xf32, #tpu.memory_space<vmem>>
      %dma_start3A_372 = arith.constant 0 : i32
      %dma_start3A_373 = tpu.memref_slice %arg4[%mul3A_368, %dma_start3A_372] : memref<409600x128xf32, #tpu.memory_space<hbm>> -> memref<8x128xf32, #tpu.memory_space<hbm>>
      %dma_start3A_374 = arith.constant 0 : i32
      %dma_start3A_375 = tpu.memref_slice %arg4[%mul3A_368, %dma_start3A_374] : memref<409600x128xf32, #tpu.memory_space<hbm>> -> memref<8x128xf32, #tpu.memory_space<hbm>>
      %dma_start3A_376 = arith.constant 32 : i32
      %dma_start3A_377 = arith.constant 0 : i32
      %dma_start3A_378 = tpu.memref_slice %arg9[%dma_start3A_376, %dma_start3A_377] : memref<64x129xf32, #tpu.memory_space<vmem>> -> memref<8x128xf32, #tpu.memory_space<vmem>>
      tpu.enqueue_dma source(%dma_start3A_378 : memref<8x128xf32, #tpu.memory_space<vmem>>) target(%dma_start3A_375 : memref<8x128xf32, #tpu.memory_space<hbm>>) target_semaphore(%arg13 : memref<!tpu.dma_semaphore, #tpu.memory_space<semaphore_mem>>)
      %mul3A_379 = arith.constant 8 : i32
      %mul3A_380 = arith.muli %select_n3A_280, %mul3A_379 : i32
      %add3A_381 = arith.constant 5 : i32
      %add3A_382 = arith.addi %mul3A_380, %add3A_381 : i32
      %mul3A_383 = arith.constant 32 : i32
      %mul3A_384 = arith.muli %add3A_382, %mul3A_383 : i32
      %add3A_385 = arith.addi %mul3A_384, %sub3A_283 : i32
      %mul3A_386 = arith.constant 8 : i32
      %mul3A_387 = arith.muli %add3A_385, %mul3A_386 : i32
      %dma_start3A_388 = arith.constant 40 : i32
      %dma_start3A_389 = arith.constant 0 : i32
      %dma_start3A_390 = tpu.memref_slice %arg9[%dma_start3A_388, %dma_start3A_389] : memref<64x129xf32, #tpu.memory_space<vmem>> -> memref<8x128xf32, #tpu.memory_space<vmem>>
      %dma_start3A_391 = arith.constant 0 : i32
      %dma_start3A_392 = tpu.memref_slice %arg4[%mul3A_387, %dma_start3A_391] : memref<409600x128xf32, #tpu.memory_space<hbm>> -> memref<8x128xf32, #tpu.memory_space<hbm>>
      %dma_start3A_393 = arith.constant 0 : i32
      %dma_start3A_394 = tpu.memref_slice %arg4[%mul3A_387, %dma_start3A_393] : memref<409600x128xf32, #tpu.memory_space<hbm>> -> memref<8x128xf32, #tpu.memory_space<hbm>>
      %dma_start3A_395 = arith.constant 40 : i32
      %dma_start3A_396 = arith.constant 0 : i32
      %dma_start3A_397 = tpu.memref_slice %arg9[%dma_start3A_395, %dma_start3A_396] : memref<64x129xf32, #tpu.memory_space<vmem>> -> memref<8x128xf32, #tpu.memory_space<vmem>>
      tpu.enqueue_dma source(%dma_start3A_397 : memref<8x128xf32, #tpu.memory_space<vmem>>) target(%dma_start3A_394 : memref<8x128xf32, #tpu.memory_space<hbm>>) target_semaphore(%arg13 : memref<!tpu.dma_semaphore, #tpu.memory_space<semaphore_mem>>)
      %mul3A_398 = arith.constant 8 : i32
      %mul3A_399 = arith.muli %select_n3A_280, %mul3A_398 : i32
      %add3A_400 = arith.constant 6 : i32
      %add3A_401 = arith.addi %mul3A_399, %add3A_400 : i32
      %mul3A_402 = arith.constant 32 : i32
      %mul3A_403 = arith.muli %add3A_401, %mul3A_402 : i32
      %add3A_404 = arith.addi %mul3A_403, %sub3A_283 : i32
      %mul3A_405 = arith.constant 8 : i32
      %mul3A_406 = arith.muli %add3A_404, %mul3A_405 : i32
      %dma_start3A_407 = arith.constant 48 : i32
      %dma_start3A_408 = arith.constant 0 : i32
      %dma_start3A_409 = tpu.memref_slice %arg9[%dma_start3A_407, %dma_start3A_408] : memref<64x129xf32, #tpu.memory_space<vmem>> -> memref<8x128xf32, #tpu.memory_space<vmem>>
      %dma_start3A_410 = arith.constant 0 : i32
      %dma_start3A_411 = tpu.memref_slice %arg4[%mul3A_406, %dma_start3A_410] : memref<409600x128xf32, #tpu.memory_space<hbm>> -> memref<8x128xf32, #tpu.memory_space<hbm>>
      %dma_start3A_412 = arith.constant 0 : i32
      %dma_start3A_413 = tpu.memref_slice %arg4[%mul3A_406, %dma_start3A_412] : memref<409600x128xf32, #tpu.memory_space<hbm>> -> memref<8x128xf32, #tpu.memory_space<hbm>>
      %dma_start3A_414 = arith.constant 48 : i32
      %dma_start3A_415 = arith.constant 0 : i32
      %dma_start3A_416 = tpu.memref_slice %arg9[%dma_start3A_414, %dma_start3A_415] : memref<64x129xf32, #tpu.memory_space<vmem>> -> memref<8x128xf32, #tpu.memory_space<vmem>>
      tpu.enqueue_dma source(%dma_start3A_416 : memref<8x128xf32, #tpu.memory_space<vmem>>) target(%dma_start3A_413 : memref<8x128xf32, #tpu.memory_space<hbm>>) target_semaphore(%arg13 : memref<!tpu.dma_semaphore, #tpu.memory_space<semaphore_mem>>)
      %mul3A_417 = arith.constant 8 : i32
      %mul3A_418 = arith.muli %select_n3A_280, %mul3A_417 : i32
      %add3A_419 = arith.constant 7 : i32
      %add3A_420 = arith.addi %mul3A_418, %add3A_419 : i32
      %mul3A_421 = arith.constant 32 : i32
      %mul3A_422 = arith.muli %add3A_420, %mul3A_421 : i32
      %add3A_423 = arith.addi %mul3A_422, %sub3A_283 : i32
      %mul3A_424 = arith.constant 8 : i32
      %mul3A_425 = arith.muli %add3A_423, %mul3A_424 : i32
      %dma_start3A_426 = arith.constant 56 : i32
      %dma_start3A_427 = arith.constant 0 : i32
      %dma_start3A_428 = tpu.memref_slice %arg9[%dma_start3A_426, %dma_start3A_427] : memref<64x129xf32, #tpu.memory_space<vmem>> -> memref<8x128xf32, #tpu.memory_space<vmem>>
      %dma_start3A_429 = arith.constant 0 : i32
      %dma_start3A_430 = tpu.memref_slice %arg4[%mul3A_425, %dma_start3A_429] : memref<409600x128xf32, #tpu.memory_space<hbm>> -> memref<8x128xf32, #tpu.memory_space<hbm>>
      %dma_start3A_431 = arith.constant 0 : i32
      %dma_start3A_432 = tpu.memref_slice %arg4[%mul3A_425, %dma_start3A_431] : memref<409600x128xf32, #tpu.memory_space<hbm>> -> memref<8x128xf32, #tpu.memory_space<hbm>>
      %dma_start3A_433 = arith.constant 56 : i32
      %dma_start3A_434 = arith.constant 0 : i32
      %dma_start3A_435 = tpu.memref_slice %arg9[%dma_start3A_433, %dma_start3A_434] : memref<64x129xf32, #tpu.memory_space<vmem>> -> memref<8x128xf32, #tpu.memory_space<vmem>>
      tpu.enqueue_dma source(%dma_start3A_435 : memref<8x128xf32, #tpu.memory_space<vmem>>) target(%dma_start3A_432 : memref<8x128xf32, #tpu.memory_space<hbm>>) target_semaphore(%arg13 : memref<!tpu.dma_semaphore, #tpu.memory_space<semaphore_mem>>)
    }
    %scan3A_11 = arith.constant 100 : i32
    %dma_wait3A = arith.constant 0 : i32
    %dma_wait3A_12 = arith.constant 0 : i32
    %dma_wait3A_13 = tpu.memref_slice %arg8[%dma_wait3A, %dma_wait3A_12] : memref<64x129xf32, #tpu.memory_space<vmem>> -> memref<64x128xf32, #tpu.memory_space<vmem>>
    %dma_wait3A_14 = arith.constant 0 : i32
    %dma_wait3A_15 = arith.constant 0 : i32
    %dma_wait3A_16 = tpu.memref_slice %arg4[%dma_wait3A_14, %dma_wait3A_15] : memref<409600x128xf32, #tpu.memory_space<hbm>> -> memref<64x128xf32, #tpu.memory_space<hbm>>
    %dma_wait3A_17 = arith.constant 0 : i32
    %dma_wait3A_18 = arith.constant 0 : i32
    %dma_wait3A_19 = tpu.memref_slice %arg4[%dma_wait3A_17, %dma_wait3A_18] : memref<409600x128xf32, #tpu.memory_space<hbm>> -> memref<64x128xf32, #tpu.memory_space<hbm>>
    %dma_wait3A_20 = arith.constant 0 : i32
    %dma_wait3A_21 = arith.constant 0 : i32
    %dma_wait3A_22 = tpu.memref_slice %arg8[%dma_wait3A_20, %dma_wait3A_21] : memref<64x129xf32, #tpu.memory_space<vmem>> -> memref<64x128xf32, #tpu.memory_space<vmem>>
    tpu.wait_dma2 semaphore(%arg12 : memref<!tpu.dma_semaphore, #tpu.memory_space<semaphore_mem>>) src(%dma_wait3A_22 : memref<64x128xf32, #tpu.memory_space<vmem>>) dst(%dma_wait3A_19 : memref<64x128xf32, #tpu.memory_space<hbm>>)
    %dma_wait3A_23 = arith.constant 0 : i32
    %dma_wait3A_24 = arith.constant 0 : i32
    %dma_wait3A_25 = tpu.memref_slice %arg9[%dma_wait3A_23, %dma_wait3A_24] : memref<64x129xf32, #tpu.memory_space<vmem>> -> memref<64x128xf32, #tpu.memory_space<vmem>>
    %dma_wait3A_26 = arith.constant 0 : i32
    %dma_wait3A_27 = arith.constant 0 : i32
    %dma_wait3A_28 = tpu.memref_slice %arg4[%dma_wait3A_26, %dma_wait3A_27] : memref<409600x128xf32, #tpu.memory_space<hbm>> -> memref<64x128xf32, #tpu.memory_space<hbm>>
    %dma_wait3A_29 = arith.constant 0 : i32
    %dma_wait3A_30 = arith.constant 0 : i32
    %dma_wait3A_31 = tpu.memref_slice %arg4[%dma_wait3A_29, %dma_wait3A_30] : memref<409600x128xf32, #tpu.memory_space<hbm>> -> memref<64x128xf32, #tpu.memory_space<hbm>>
    %dma_wait3A_32 = arith.constant 0 : i32
    %dma_wait3A_33 = arith.constant 0 : i32
    %dma_wait3A_34 = tpu.memref_slice %arg9[%dma_wait3A_32, %dma_wait3A_33] : memref<64x129xf32, #tpu.memory_space<vmem>> -> memref<64x128xf32, #tpu.memory_space<vmem>>
    tpu.wait_dma2 semaphore(%arg13 : memref<!tpu.dma_semaphore, #tpu.memory_space<semaphore_mem>>) src(%dma_wait3A_34 : memref<64x128xf32, #tpu.memory_space<vmem>>) dst(%dma_wait3A_31 : memref<64x128xf32, #tpu.memory_space<hbm>>)
    return
  }
}

</mosaic_0001>

<sc_bundles>
// kernel: kernel.3.cloned.1.call-start
scs
__scs_entry_jumppad:
0x0: {  	(pc) =	sbr.rel $0x88, $3  }
0x1: {  	(tag) =	ssettag $0x0;
	lr =	simm.s32 $0x1  }
0x2: {  	[smem:$0x3F9F] =	sst lr;
	_ =	strace $0xD0000000  }
0x3: {  	_ = 	snop  }
0x4: {  	_ = 	snop  }
0x5: {  	_ = 	snop  }
0x6: {  	_ = 	snop  }
0x7: {  	_ = 	snop  }
__scs_overlays_trampoline_lowered:
0x8: {  	[smem:$0x3FAE] =	sst s0  }
0x9: {  	[smem:$0x3FAF] =	sst s1  }
0xa: {  	[smem:$0x3FB0] =	sst s2  }
0xb: {  	[smem:$0x3FB1] =	sst s3  }
0xc: {  	[smem:$0x3FB2] =	sst s4  }
0xd: {  	[smem:$0x3FB3] =	sst s5  }
0xe: {  	[smem:$0x3FB4] =	sst s6  }
0xf: {  	[smem:$0x3FB5] =	sst s7  }
0x10: {  	[smem:$0x3FB6] =	sst s8  }
0x11: {  	[smem:$0x3FB7] =	sst s9;
	s0 =	simm.s32 @!p0 $0x0  }
0x12: {  	s1 =	sld [smem:$0x3F9D];
	s0 =	simm.s32 @p0 $0x1  }
0x13: {  	[smem:$0x3FB8] =	sst s0;
	s0 =	simm.s32 @!p1 $0x0  }
0x14: {  	s2 =	sld [smem:$0x3F9C];
	s0 =	simm.s32 @p1 $0x1  }
0x15: {  	[smem:$0x3FB9] =	sst s0;
	s0 =	simm.s32 @!p2 $0x0  }
0x16: {  	s3 =	sld [smem:$0x3FDB];
	s0 =	simm.s32 @p2 $0x1  }
0x17: {  	s4 =	simm.s32 $0x1BF5;
	[smem:$0x3FBB] =	sst s0  }
0x18: {  	s0 =	sld [smem:$0x3F9E];
	_ =	swait.ge [sflag:s4], $0x0  }
0x19: {  	s7 =	sld [smem:$0x3F9F]  }
0x1a: {  	s8 =	sadd.s32 $0xFFFFE003, lr  }
0x1b: {  	s9 =	sadd.s32 $0xFFFFFEF7, lr;
	s5 =	simm.s32 $0xFFFFFFFF;
	p2 =	slt.u32 s8, $0xFFFFF086  }
0x1c: {  	p1 =	slt.u32 s9, $0xF7A;
	s5 =	simm.s32 @!p2 $0x0  }
0x1d: {  	s5 =	simm.s32 @p1 $0x1;
	p0 =	seq.s32 s7, s2  }
0x1e: {  	s7 =	smul.u32 @!p0 $0xF7A, s2;
	p2 =	seq.s32 @!p0 s5, $0x0  }
0x1f: {  	s9 =	smul.u32 $0xF7A, s1;
	s8 =	simm.s32 @!p0 $0x1BF5;
	p2 =	por !p2, p0  }
0x20: {  	[sflag:s8] =	ssyncset.s32 @!p0 $0xFFFFF086;
	s6 =	sadd.s32 @!p0 s3, s7;
	s7 =	simm.s32 @!p0 $0x108  }
0x21: {  	s3 =	sadd.s32 s3, s9;
	s6 =	sadd.s32 @!p0 $0x88, s6;
	s7 =	simm.s32 @p2 $0x1082  }
0x22: {  	[simem:s7], [sflag:s8] =	dma.local @!p0 [hbm:s6], $0xF7A  }
0x23: {  	s9 =	sor.u32 $0xD0000000, s2;
	s6 =	simm.s32 $0x108;
	_ =	swait.ge @!p0 [sflag:s8], $0x0  }
0x24: {  	s3 =	sadd.s32 $0x88, s3;
	s6 =	simm.s32 @!p1 $0x1082;
	[sflag:s4] =	ssyncset.s32 $0xFFFFF086  }
0x25: {  	[simem:s6], [sflag:s4] =	dma.local [hbm:s3], $0xF7A  }
0x26: {  	[smem:$0x3F9F] =	sst s1;
	(tag) =	ssettag s2;
	_ =	strace s9  }
0x27: {  	s1 =	sld [smem:$0x3FAF]  }
0x28: {  	s2 =	sld [smem:$0x3FB0]  }
0x29: {  	s4 =	sld [smem:$0x3FB2]  }
0x2a: {  	p0 =	seq.s32 s5, $0x0;
	s5 =	sld [smem:$0x3FB3]  }
0x2b: {  	s6 =	sld [smem:$0x3FB4]  }
0x2c: {  	s7 =	sld [smem:$0x3FB5]  }
0x2d: {  	s3 =	simm.s32 $0x108;
	s8 =	sld [smem:$0x3FB6]  }
0x2e: {  	s3 =	simm.s32 @!p0 $0x1082;
	s9 =	sld [smem:$0x3FB7]  }
0x2f: {  	lr =	sadd.s32 s0, s3;
	s0 =	sld [smem:$0x3FAE]  }
0x30: {  	s3 =	sld [smem:$0x3FB1]  }
0x31: {  	[smem:$0x3FBA] =	sst s10  }
0x32: {  	s10 =	sld [smem:$0x3FB8];
	_ =	sdelay $0x3  }
0x33: {  	p0 =	seq.s32 s10, $0x1;
	s10 =	sld [smem:$0x3FBA];
	_ =	sdelay $0x3  }
0x34: {  	[smem:$0x3FBA] =	sst s10  }
0x35: {  	s10 =	sld [smem:$0x3FB9];
	_ =	sdelay $0x3  }
0x36: {  	p1 =	seq.s32 s10, $0x1;
	s10 =	sld [smem:$0x3FBA];
	_ =	sdelay $0x3  }
0x37: {  	[smem:$0x3FBA] =	sst s10  }
0x38: {  	s10 =	sld [smem:$0x3FBB]  }
0x39: {  	_ = 	snop;
	(pc) =	sbr.ind lr, $3  }
0x3a: {  	_ = 	snop  }
0x3b: {  	_ = 	snop  }
0x3c: {  	p2 =	seq.s32 s10, $0x1;
	s10 =	sld [smem:$0x3FBA]  }
0x3d: {  	_ =	shalt  }
0x3e: {  	_ =	shalt  }
0x3f: {  	_ =	shalt  }
0x40: {  	_ =	shalt  }
0x41: {  	_ =	shalt  }
0x42: {  	_ =	shalt  }
0x43: {  	_ =	shalt  }
0x44: {  	_ =	shalt  }
0x45: {  	_ =	shalt  }
0x46: {  	_ =	shalt  }
0x47: {  	_ =	shalt  }
0x48: {  	_ =	shalt  }
0x49: {  	_ =	shalt  }
0x4a: {  	_ =	shalt  }
0x4b: {  	_ =	shalt  }
0x4c: {  	_ =	shalt  }
0x4d: {  	_ =	shalt  }
0x4e: {  	_ =	shalt  }
0x4f: {  	_ =	shalt  }
0x50: {  	_ =	shalt  }
0x51: {  	_ =	shalt  }
0x52: {  	_ =	shalt  }
0x53: {  	_ =	shalt  }
0x54: {  	_ =	shalt  }
0x55: {  	_ =	shalt  }
0x56: {  	_ =	shalt  }
0x57: {  	_ =	shalt  }
0x58: {  	_ =	shalt  }
0x59: {  	_ =	shalt  }
0x5a: {  	_ =	shalt  }
0x5b: {  	_ =	shalt  }
0x5c: {  	_ =	shalt  }
0x5d: {  	_ =	shalt  }
0x5e: {  	_ =	shalt  }
0x5f: {  	_ =	shalt  }
0x60: {  	_ =	shalt  }
0x61: {  	_ =	shalt  }
0x62: {  	_ =	shalt  }
0x63: {  	_ =	shalt  }
0x64: {  	_ =	shalt  }
0x65: {  	_ =	shalt  }
0x66: {  	_ =	shalt  }
0x67: {  	_ =	shalt  }
0x68: {  	_ =	shalt  }
0x69: {  	_ =	shalt  }
0x6a: {  	_ =	shalt  }
0x6b: {  	_ =	shalt  }
0x6c: {  	_ =	shalt  }
0x6d: {  	_ =	shalt  }
0x6e: {  	_ =	shalt  }
0x6f: {  	_ =	shalt  }
0x70: {  	_ =	shalt  }
0x71: {  	_ =	shalt  }
0x72: {  	_ =	shalt  }
0x73: {  	_ =	shalt  }
0x74: {  	_ =	shalt  }
0x75: {  	_ =	shalt  }
0x76: {  	_ =	shalt  }
0x77: {  	_ =	shalt  }
0x78: {  	_ =	shalt  }
0x79: {  	_ =	shalt  }
0x7a: {  	_ =	shalt  }
0x7b: {  	_ =	shalt  }
0x7c: {  	_ =	shalt  }
0x7d: {  	_ =	shalt  }
0x7e: {  	_ =	shalt  }
0x7f: {  	_ =	shalt  }
0x80: {  	_ =	shalt  }
0x81: {  	_ =	shalt  }
0x82: {  	_ =	shalt  }
0x83: {  	_ =	shalt  }
0x84: {  	_ =	shalt  }
0x85: {  	_ =	shalt  }
0x86: {  	_ =	shalt  }
0x87: {  	_ =	shalt  }
.Lfunc_end0:
.L_simem_size_0:
called_computation.1_lowered:
.L_overlay_start_0:
0x88: {  	s2 =	sld [smem:$0x3FD9]  }
0x89: {  	s3 =	sld [smem:$0x3FFE];
	_ =	sdelay $0x1  }
0x8a: {  	s1 =	srdreg.scid  }
0x8b: {  	s0 =	sand.u32 $0x1, s1  }
0x8c: {  	s17 =	sshll.u32 s0, $0xA;
	s2 =	sadd.s32 s3, s2  }
0x8d: {  	s2 =	sadd.s32 s2, s17  }
0x8e: {  	[smem:$0x3FC6] =	sst s2  }
0x8f: {  	_ = 	snop  }
0x90: {  	s2 =	sld [smem:$0x3FD0];
	(tm) =	ssettm $0x1  }
0x91: {  	s18 =	sld [smem:$0x3FFB];
	_ =	sdelay $0x3  }
0x92: {  	_ =	strace s18  }
0x93: {  	s3 =	sld [smem:$0x3FFC];
	_ =	sdelay $0x3  }
0x94: {  	_ =	strace s3  }
0x95: {  	s3 =	sld [smem:$0x3FFD];
	_ =	sdelay $0x3  }
0x96: {  	_ =	strace s3  }
0x97: {  	_ =	strace $0x8FFFFFFF  }
0x98: {  	s19 =	sld [smem:$0x3FDB];
	_ =	sdelay $0x1  }
0x99: {  	s4 =	simm.s32 $_scs_section_size  }
0x9a: {  	s5 =	simm.s32 $_size__tile_overlayer_lowered;
	s6 =	simm.s32 $_tile_overlayer_lowered  }
0x9b: {  	s22 =	simm.s32 $0x1BFF;
	s21 =	sshll.u32 s6, $0x1;
	s3 =	sadd.s32 s4, s19  }
0x9c: {  	s7 =	simm.s32 $0x0;
	s20 =	sshll.u32 s5, $0x1;
	s5 =	sadd.s32 s21, s3  }
0x9d: {  	[timem:s7], [sflag:s22] =	dma.local [hbm:s5], s20  }
0x9e: {  	_ =	swait.ge [sflag:s22], s20  }
0x9f: {  	s4 =	ssub.s32 $0x0, s20;
	[sflag:s22] =	ssyncset.done $0x0  }
0xa0: {  	[sflag:s22] =	ssyncadd.s32 s4;
	_ =	sdelay $0x1  }
0xa1: {  	s23 =	simm.s32 $0x1B8B  }
0xa2: {  	_ =	swait.ge [sflag:s23], $0x1  }
0xa3: {  	[sflag:s23] =	ssyncset.done $0x0  }
0xa4: {  	s25 =	simm.s32 $0x1B8E;
	s24 =	sld [smem:$0x3FFE];
	[sflag:s23] =	ssyncadd.s32 $0xFFFFFFFF  }
0xa5: {  	s26 =	simm.s32 $execute0_lowered;
	[smem:$0x3FD2] =	sst s25  }
0xa6: {  	s5 =	sshll.u32 s26, $0x1;
	_ =	strace $0x80000049;
	[dreg:$0x1] =	wrdreg $0xFFFFFFFF  }
0xa7: {  	s28 =	simm.s32 $_size_execute0_lowered;
	s3 =	sadd.s32 s3, s5;
	[dreg:$0x0] =	wrdreg $0x0  }
0xa8: {  	s5 =	sshll.u32 s28, $0x1;
	[dreg:$0x2] =	wrdreg s3  }
0xa9: {  	[dreg:$0x3] =	wrdreg s5  }
0xaa: {  	[dreg:$0x4] =	wrdreg $0xC0  }
0xab: {  	_ =	task [dreg:s7], $0x5FFFF  }
0xac: {  	[dreg:$0x1] =	wrdreg $0xFFFFFFFF  }
0xad: {  	[dreg:$0x0] =	wrdreg $0x60  }
0xae: {  	[dreg:$0x2] =	wrdreg s24  }
0xaf: {  	[dreg:$0x3] =	wrdreg s2  }
0xb0: {  	[dreg:$0x4] =	wrdreg $0x9  }
0xb1: {  	_ =	task.clear_ibuf [dreg:s7], $0x5FFFF;
	_ =	strace $0x90000049  }
0xb2: {  	s29 =	simm.s32 $0x9;
	_ =	strace $0x8000004B  }
0xb3: {  	_ =	swait.ge [sflag:s29], $0x1  }
0xb4: {  	[sflag:s29] =	ssyncadd.s32 $0xFFFFFFFF  }
0xb5: {  	_ =	strace $0x9000004B  }
0xb6: {  	_ =	sfence  }
0xb7: {  	s30 =	sld [smem:$0x0];
	_ =	sdelay $0x2  }
0xb8: {  	s31 =	sshll.u32 s1, $0xD;
	s1 =	sshrl.u32 s1, $0x2  }
0xb9: {  	s3 =	sand.u32 $0x4000, s31;
	s1 =	sadd.s32 s1, s30  }
0xba: {  	s0 =	sor.u32 s3, s0;
	s1 =	sshll.u32 s1, $0x11  }
0xbb: {  	s0 =	sor.u32 s1, s0  }
0xbc: {  	s0 =	sadd.s32 $0x8F2B, s0  }
0xbd: {  	[sflag:s0] =	ssyncadd.remote.s32 $0x1  }
0xbe: {  	_ =	sfence.sel $0xFFFF  }
0xbf: {  	[dreg:$0x0] =	wrdreg $0xFFFFFFFF;
	(pc) =	sbr.abs _section_cstart, $3  }
0xc0: {  	[dreg:$0x1] =	wrdreg $0xFFFFFFFF  }
0xc1: {  	_ =	task.clear_ibuf [dreg:s7], $0x2FFFF;
	_ =	strace $0x9FFFFFFF  }
0xc2: {  	(tm) =	ssettm $0x7FFFFFFF  }
0xc3: {  	_ =	shalt  }
tec
execute0_lowered:
.L_overlay_start_1:
0x0: {  	(tag) =	ssettag $0x1  }
0x1: {  	s0 =	rddreg [dreg:$0x0]  }
0x2: {  	s1 =	srdreg.scid;
	s3 =	stileid.u32;
	v0 =	vlaneseq.u32  }
0x3: {  	s2 =	rddreg [dreg:$0x1];
	s19 =	simm.s32 $0x1;
	s20 =	simm.s32 $0xA400;
	v0 =	vmul.u32 $0x88, v0  }
0x4: {  	s17 =	simm.s32 $0xC600;
	v1 =	vimm.s32 $0x0;
	vm0 =	vcmask $0x300;
	s24 =	simm.s32 $0xE3C0;
	s16 =	simm.s32 $0xE4D0  }
0x5: {  	s28 =	simm.s32 $0xE5E0;
	s29 =	simm.s32 $0xE668;
	s30 =	simm.s32 $0xE6F0;
	v1 =	vsel vm0, $0x3, v1;
	v2 =	vadd.s32 $0x880, v0  }
0x6: {  	s31 =	simm.s32 $0xE778;
	s14 =	simm.s32 $0x0;
	s1 =	sand.u32 $0x1, s1;
	v3 =	vadd.s32 $0x1100, v0;
	v4 =	vadd.s32 $0x1980, v0;
	v5 =	vor.u32 $0x1, v0  }
0x7: {  	s4 =	sshll.u32 s3, $0x1;
	s3 =	simm.s32 $0x0;
	s8 =	sadd.s32 $0x2000, s2;
	v6 =	vadd.s32 $0x881, v0;
	v7 =	vadd.s32 $0x1101, v0;
	v8 =	vadd.s32 $0x1981, v0  }
0x8: {  	s9 =	sadd.s32 $0x3000, s2;
	s10 =	sadd.s32 $0x4000, s2;
	s11 =	sadd.s32 $0x5000, s2;
	v9 =	vor.u32 $0x2, v0;
	v10 =	vadd.s32 $0x882, v0;
	v11 =	vadd.s32 $0x1102, v0  }
0x9: {  	s12 =	sadd.s32 $0x6000, s2;
	s5 =	sor.u32 s1, s4;
	s1 =	ssub.s32 $0x2, s1;
	v12 =	vadd.s32 $0x1982, v0;
	v13 =	vor.u32 $0x3, v0;
	v14 =	vadd.s32 $0x883, v0  }
0xa: {  	[smem:$0x7FF] =	sst s3;
	s4 =	smul.u32 $0xC80, s5;
	s6 =	sshrl.u32 s1, $0x1;
	v15 =	vadd.s32 $0x1103, v0;
	v16 =	vadd.s32 $0x1983, v0;
	v17 =	vor.u32 $0x4, v0  }
0xb: {  	s13 =	sadd.s32 $0x7000, s2;
	_ =	strace $0x8000004A;
	v18 =	vadd.s32 $0x884, v0;
	v19 =	vadd.s32 $0x1104, v0;
	v20 =	vadd.s32 $0x1984, v0;
	s25 =	ssub.s32 s1, s6  }
0xc: {  	v21 =	vor.u32 $0x5, v0;
	v22 =	vadd.s32 $0x885, v0;
	v23 =	vadd.s32 $0x1105, v0;
	s6 =	smul.u32 $0xC8, s5;
	s1 =	simm.s32 $0x4;
	s7 =	sadd.s32 s4, s0  }
0xd: {  	v24 =	vadd.s32 $0x1985, v0;
	v25 =	vor.u32 $0x6, v0;
	v26 =	vadd.s32 $0x886, v0;
	s4 =	sadd.s32 $0xF5BE00, s0;
	s0 =	smax.u32 s25, $0x1;
	s25 =	simm.s32 $0xE448  }
0xe: {  	v27 =	vadd.s32 $0x1106, v0;
	v28 =	vadd.s32 $0x1986, v0;
	v29 =	vor.u32 $0x7, v0;
	s26 =	sadd.s32 $0xF42E00, s7;
	s7 =	sadd.s32 $0x1000, s2;
	[dreg:$0x4] =	wrdreg s0  }
0xf: {  	v30 =	vadd.s32 $0x887, v0;
	v31 =	vadd.s32 $0x1107, v0;
	v32 =	vadd.s32 $0x1987, v0;
	s0 =	simm.s32 $0x2;
	[dreg:$0x3] =	wrdreg s26;
	s26 =	simm.s32 $0xE558  }
.LBB2_1:
0x10: {  	[dreg:$0x5] =	wrdreg s14  }
0x11: {  	s5 =	rddreg [dreg:$0x3];
	s21 =	simm.s32 $0x5  }
0x12: {  	[tilespmem:s3], [sflag:$0x5] =	stream.linear.gather [hbm4b:s5+s3], $0x6400, $0x38;
	[tilespmem:$0xE800] =	vst v63  }
0x13: {  	_ =	swait.ge [sflag:s21], $0x6400  }
0x14: {  	s22 =	simm.s32 $0x80;
	[sflag:s21] =	ssyncset.done $0x0  }
0x15: {  	s23 =	simm.s32 $0x6400;
	s5 =	simm.s32 $0x0;
	[sflag:s21] =	ssyncadd.s32 $0xFFFF9C00  }
0x16: {  	[tilespmem:s23], [sflag:$0x1] =	stream.indirect.gather [hbm4b:s4+s22], $0x40, s3, s22, $0xb8;
	[tilespmem:$0xE800] =	vst v63  }
.LBB2_2:
0x17: {  	s14 =	sshllo.u32 s5, $0x1;
	s18 =	simm.s32 $0x80  }
0x18: {  	s21 =	simm.s32 $0x8400;
	p0 =	seq.s32 s5, $0x0;
	s15 =	sshll.u32 s14, $0x7  }
0x19: {  	s23 =	simm.s32 $0x0;
	s22 =	simm.s32 $0x2;
	s15 =	sand.u32 $0x3FFFFF80, s15  }
0x1a: {  	v33 =	vmov s23;
	[tilespmem:s21], [sflag:$0x2] =	stream.indirect.gather [hbm4b:s4+s18], $0x40, s15, s18, $0xb8;
	[tilespmem:$0xE800] =	vst v63  }
0x1b: {  	s23 =	simm.s32 $0x3;
	v35 =	vmov s22;
	s22 =	simm.s32 $0x7;
	v33 =	vshrl.u32 v33, $0x3;
	s15 =	simm.s32 @!p0 $0x3  }
0x1c: {  	v36 =	vmov s23;
	s23 =	simm.s32 $0x5;
	v38 =	vmov s22;
	v35 =	vshrl.u32 v35, $0x3;
	_ =	swait.ge @!p0 [sflag:s15], $0x2000  }
0x1d: {  	s22 =	simm.s32 $0x6;
	v39 =	vmov s23;
	v33 =	vshll.u32 v33, v1;
	v38 =	vshrl.u32 v38, $0x3;
	[sflag:s15] =	ssyncset.done @!p0 $0x0  }
0x1e: {  	s21 =	simm.s32 $0x1;
	v40 =	vmov s22;
	v36 =	vshrl.u32 v36, $0x3;
	v51 =	vshll.u32 v35, v1;
	[sflag:s15] =	ssyncadd.s32 @!p0 $0xFFFFE000  }
0x1f: {  	v34 =	vmov s21;
	v38 =	vshll.u32 v38, v1;
	v33 =	vbroadcast v33, $0x0;
	_ =	swait.ge [sflag:s19], $0x2000  }
0x20: {  	v53 =	vbroadcast v51, $0x0;
	v34 =	vshrl.u32 v34, $0x3;
	v38 =	vbroadcast v38, $0x0;
	[sflag:s19] =	ssyncset.done $0x0  }
0x21: {  	s18 =	simm.s32 $0x6500;
	s21 =	simm.s32 $0x4;
	v52 =	vshll.u32 v36, v1;
	v55 =	vshrl.u32 v39, $0x3;
	v34 =	vshll.u32 v34, v1;
	[sflag:s19] =	ssyncadd.s32 $0xFFFFE000  }
0x22: {  	v37 =	vmov s21;
	v47 =	vbroadcast v34, $0x0;
	v42 =	vadd.s32 v29, v38;
	v41 =	vld [tilespmem:s18+$0xC0]  }
0x23: {  	v40 =	vshrl.u32 v40, $0x3;
	v37 =	vshrl.u32 v37, $0x3;
	v44 =	vadd.s32 v0, v33;
	v43 =	vld [tilespmem:s18+$0xFFFFFF00]  }
0x24: {  	v35 =	vbroadcast v52, $0x0;
	v54 =	vshll.u32 v37, v1;
	v46 =	vadd.s32 v5, v47;
	v45 =	vld [tilespmem:s18+$0xFFFFFF40]  }
0x25: {  	v36 =	vshll.u32 v55, v1;
	v49 =	vadd.s32 v9, v53;
	v34 =	vbroadcast v54, $0x0;
	v48 =	vld [tilespmem:s18+$0xFFFFFF80]  }
0x26: {  	v56 =	vshll.u32 v40, v1;
	v50 =	vadd.s32 v13, v35;
	v37 =	vbroadcast v36, $0x0;
	v39 =	vld [tilespmem:s18+$0xFFFFFFC0]  }
0x27: {  	v36 =	vbroadcast v56, $0x0;
	v51 =	vld [tilespmem:s18+$0x0];
	v52 =	vadd.s32 v17, v34;
	[tilespmem:v42+s20+$0x0] =	vst.idx.msk $0xffff, v41  }
0x28: {  	v60 =	vadd.s32 v21, v37;
	v59 =	vld [tilespmem:s18+$0x40];
	[tilespmem:v44+s20+$0x0] =	vst.idx.msk $0xffff, v43  }
0x29: {  	v62 =	vadd.s32 v25, v36;
	v61 =	vld [tilespmem:s18+$0x80];
	[tilespmem:v46+s20+$0x0] =	vst.idx.msk $0xffff, v45  }
0x2a: {  	v58 =	vadd.s32 v30, v38;
	[tilespmem:v49+s20+$0x0] =	vst.idx.msk $0xffff, v48;
	v57 =	vld [tilespmem:s18+$0xD0]  }
0x2b: {  	v63 =	vadd.s32 v6, v47;
	[tilespmem:v50+s20+$0x0] =	vst.idx.msk $0xffff, v39;
	v46 =	vld [tilespmem:s18+$0xFFFFFF50]  }
0x2c: {  	v55 =	vadd.s32 v10, v53;
	[tilespmem:v52+s20+$0x0] =	vst.idx.msk $0xffff, v51;
	v54 =	vld [tilespmem:s18+$0xFFFFFF90]  }
0x2d: {  	v56 =	vadd.s32 v14, v35;
	[tilespmem:v60+s20+$0x0] =	vst.idx.msk $0xffff, v59;
	v50 =	vld [tilespmem:s18+$0xFFFFFFD0]  }
0x2e: {  	[tilespmem:v62+s20+$0x0] =	vst.idx.msk $0xffff, v61;
	v45 =	vadd.s32 v22, v37;
	v44 =	vld [tilespmem:s18+$0x50]  }
0x2f: {  	v59 =	vadd.s32 v18, v34;
	[tilespmem:v58+s20+$0x0] =	vst.idx.msk $0xffff, v57;
	v58 =	vld [tilespmem:s18+$0x10]  }
0x30: {  	v57 =	vadd.s32 v31, v38;
	[tilespmem:v63+s20+$0x0] =	vst.idx.msk $0xffff, v46;
	v40 =	vld [tilespmem:s18+$0xE0]  }
0x31: {  	v62 =	vadd.s32 v2, v33;
	v61 =	vld [tilespmem:s18+$0xFFFFFF10];
	[tilespmem:v55+s20+$0x0] =	vst.idx.msk $0xffff, v54  }
0x32: {  	v60 =	vadd.s32 v26, v36;
	v63 =	vld [tilespmem:s18+$0x90];
	[tilespmem:v56+s20+$0x0] =	vst.idx.msk $0xffff, v50  }
0x33: {  	v51 =	vadd.s32 v7, v47;
	[tilespmem:v45+s20+$0x0] =	vst.idx.msk $0xffff, v44;
	v50 =	vld [tilespmem:s18+$0xFFFFFF60]  }
0x34: {  	v56 =	vadd.s32 v11, v53;
	v55 =	vld [tilespmem:s18+$0xFFFFFFA0];
	[tilespmem:v59+s20+$0x0] =	vst.idx.msk $0xffff, v58  }
0x35: {  	v58 =	vadd.s32 v15, v35;
	[tilespmem:v57+s20+$0x0] =	vst.idx.msk $0xffff, v40;
	v57 =	vld [tilespmem:s18+$0xFFFFFFE0]  }
0x36: {  	v38 =	vadd.s32 v32, v38;
	[tilespmem:v62+s20+$0x0] =	vst.idx.msk $0xffff, v61;
	v54 =	vld [tilespmem:s18+$0xF0]  }
0x37: {  	s21 =	simm.s32 $0x9;
	[tilespmem:v60+s20+$0x0] =	vst.idx.msk $0xffff, v63;
	v60 =	vadd.s32 v19, v34;
	v59 =	vld [tilespmem:s18+$0x20]  }
0x38: {  	s23 =	simm.s32 $0x8;
	v41 =	vadd.s32 v23, v37;
	v52 =	vmov s21;
	[tilespmem:v51+s20+$0x0] =	vst.idx.msk $0xffff, v50;
	v40 =	vld [tilespmem:s18+$0x60]  }
0x39: {  	v43 =	vadd.s32 v27, v36;
	s21 =	simm.s32 $0xC;
	v48 =	vadd.s32 v3, v33;
	v63 =	vmov s23;
	v42 =	vld [tilespmem:s18+$0xA0];
	[tilespmem:v56+s20+$0x0] =	vst.idx.msk $0xffff, v55  }
0x3a: {  	s22 =	simm.s32 $0xA;
	v46 =	vmov s21;
	v53 =	vadd.s32 v12, v53;
	v45 =	vld [tilespmem:s18+$0xFFFFFF20];
	s23 =	simm.s32 $0xB;
	v39 =	vshrl.u32 v63, $0x3;
	[tilespmem:v58+s20+$0x0] =	vst.idx.msk $0xffff, v57  }
0x3b: {  	v44 =	vmov s23;
	s23 =	simm.s32 $0xE;
	v51 =	vadd.s32 v8, v47;
	v49 =	vld [tilespmem:s18+$0xFFFFFF70];
	[tilespmem:v38+s20+$0x0] =	vst.idx.msk $0xffff, v54;
	v54 =	vmov s22;
	s22 =	simm.s32 $0xD  }
0x3c: {  	s15 =	sshll.u32 s5, $0x1;
	s21 =	simm.s32 $0x10;
	v47 =	vshll.u32 v39, v1;
	v39 =	vmov s23;
	v50 =	vld [tilespmem:s18+$0xFFFFFFB0];
	[tilespmem:v60+s20+$0x0] =	vst.idx.msk $0xffff, v59;
	v38 =	vmov s22;
	s22 =	simm.s32 $0xF  }
.LBB2_3:
0x3d: {  	p0 =	slt.u32 s21, $0x78;
	v52 =	vshrl.u32 v52, $0x3;
	v55 =	vmov s22;
	v56 =	vld [tilespmem:s18+$0xFFFFFFF0];
	v35 =	vadd.s32 v16, v35;
	[tilespmem:v41+s20+$0x0] =	vst.idx.msk $0xffff, v40  }
0x3e: {  	v40 =	vshrl.u32 v54, $0x3;
	v34 =	vadd.s32 v20, v34;
	v41 =	vshrl.u32 v55, $0x3;
	v54 =	vld [tilespmem:s18+$0x30];
	[tilespmem:v43+s20+$0x0] =	vst.idx.msk $0xffff, v42  }
0x3f: {  	v37 =	vadd.s32 v24, v37;
	v42 =	vshrl.u32 v44, $0x3;
	v41 =	vshll.u32 v41, v1;
	[tilespmem:v48+s20+$0x0] =	vst.idx.msk $0xffff, v45;
	v43 =	vld [tilespmem:s18+$0x70]  }
0x40: {  	v36 =	vadd.s32 v28, v36;
	v44 =	vshrl.u32 v46, $0x3;
	v41 =	vbroadcast v41, $0x0;
	[tilespmem:v51+s20+$0x0] =	vst.idx.msk $0xffff, v49;
	v45 =	vld [tilespmem:s18+$0xB0]  }
0x41: {  	v46 =	vshll.u32 v52, v1;
	v49 =	vadd.s32 v4, v33;
	v33 =	vbroadcast v47, $0x0;
	v48 =	vld [tilespmem:s18+$0xFFFFFF30];
	[tilespmem:v53+s20+$0x0] =	vst.idx.msk $0xffff, v50;
	s18 =	sadd.s32 $0x200, s18  }
0x42: {  	v40 =	vshll.u32 v40, v1;
	v47 =	vbroadcast v46, $0x0;
	v46 =	vld [tilespmem:s18+$0xC0];
	v50 =	vadd.s32 v29, v41;
	[tilespmem:v35+s20+$0x0] =	vst.idx.msk $0xffff, v56  }
0x43: {  	v53 =	vbroadcast v40, $0x0;
	v52 =	vadd.s32 v0, v33;
	v35 =	vshll.u32 v42, v1;
	v51 =	vld [tilespmem:s18+$0xFFFFFF00];
	[tilespmem:v34+s20+$0x0] =	vst.idx.msk $0xffff, v54  }
0x44: {  	v42 =	vadd.s32 v5, v47;
	v35 =	vbroadcast v35, $0x0;
	v34 =	vshll.u32 v44, v1;
	v40 =	vld [tilespmem:s18+$0xFFFFFF40];
	[tilespmem:v37+s20+$0x0] =	vst.idx.msk $0xffff, v43  }
0x45: {  	v44 =	vadd.s32 v9, v53;
	v34 =	vbroadcast v34, $0x0;
	v37 =	vshrl.u32 v38, $0x3;
	v43 =	vld [tilespmem:s18+$0xFFFFFF80];
	[tilespmem:v36+s20+$0x0] =	vst.idx.msk $0xffff, v45  }
0x46: {  	v39 =	vshrl.u32 v39, $0x3;
	v45 =	vadd.s32 v13, v35;
	v36 =	vshll.u32 v37, v1;
	v38 =	vld [tilespmem:s18+$0xFFFFFFC0];
	[tilespmem:v49+s20+$0x0] =	vst.idx.msk $0xffff, v48  }
0x47: {  	v49 =	vadd.s32 v17, v34;
	v37 =	vbroadcast v36, $0x0;
	v36 =	vshll.u32 v39, v1;
	v48 =	vld [tilespmem:s18+$0x0];
	[tilespmem:v50+s20+$0x0] =	vst.idx.msk $0xffff, v46  }
0x48: {  	v36 =	vbroadcast v36, $0x0;
	v46 =	vadd.s32 v30, v41;
	[tilespmem:v52+s20+$0x0] =	vst.idx.msk $0xffff, v51;
	v39 =	vld [tilespmem:s18+$0xD0]  }
0x49: {  	[tilespmem:v42+s20+$0x0] =	vst.idx.msk $0xffff, v40;
	v40 =	vld [tilespmem:s18+$0x40];
	v42 =	vadd.s32 v21, v37  }
0x4a: {  	[tilespmem:v44+s20+$0x0] =	vst.idx.msk $0xffff, v43;
	v43 =	vld [tilespmem:s18+$0x80];
	v44 =	vadd.s32 v25, v36  }
0x4b: {  	v51 =	vadd.s32 v6, v47;
	v50 =	vld [tilespmem:s18+$0xFFFFFF50];
	[tilespmem:v45+s20+$0x0] =	vst.idx.msk $0xffff, v38  }
0x4c: {  	v45 =	vadd.s32 v10, v53;
	v38 =	vld [tilespmem:s18+$0xFFFFFF90];
	[tilespmem:v49+s20+$0x0] =	vst.idx.msk $0xffff, v48  }
0x4d: {  	v49 =	vadd.s32 v14, v35;
	v48 =	vld [tilespmem:s18+$0xFFFFFFD0];
	[tilespmem:v46+s20+$0x0] =	vst.idx.msk $0xffff, v39  }
0x4e: {  	[tilespmem:v42+s20+$0x0] =	vst.idx.msk $0xffff, v40;
	v39 =	vld [tilespmem:s18+$0xE0];
	v40 =	vadd.s32 v31, v41  }
0x4f: {  	v46 =	vadd.s32 v18, v34;
	v42 =	vld [tilespmem:s18+$0x10];
	[tilespmem:v44+s20+$0x0] =	vst.idx.msk $0xffff, v43  }
0x50: {  	v44 =	vadd.s32 v22, v37;
	[tilespmem:v51+s20+$0x0] =	vst.idx.msk $0xffff, v50;
	v43 =	vld [tilespmem:s18+$0x50]  }
0x51: {  	[tilespmem:v45+s20+$0x0] =	vst.idx.msk $0xffff, v38;
	v38 =	vld [tilespmem:s18+$0x90];
	v45 =	vadd.s32 v26, v36  }
0x52: {  	v51 =	vadd.s32 v2, v33;
	v50 =	vld [tilespmem:s18+$0xFFFFFF10];
	[tilespmem:v49+s20+$0x0] =	vst.idx.msk $0xffff, v48  }
0x53: {  	v49 =	vadd.s32 v7, v47;
	v48 =	vld [tilespmem:s18+$0xFFFFFF60];
	[tilespmem:v40+s20+$0x0] =	vst.idx.msk $0xffff, v39  }
0x54: {  	[tilespmem:v46+s20+$0x0] =	vst.idx.msk $0xffff, v42;
	v39 =	vld [tilespmem:s18+$0xF0];
	v46 =	vadd.s32 v32, v41  }
0x55: {  	v56 =	vadd.s32 v11, v53;
	v55 =	vld [tilespmem:s18+$0xFFFFFFA0];
	[tilespmem:v44+s20+$0x0] =	vst.idx.msk $0xffff, v43  }
0x56: {  	v58 =	vadd.s32 v15, v35;
	v57 =	vld [tilespmem:s18+$0xFFFFFFE0];
	[tilespmem:v45+s20+$0x0] =	vst.idx.msk $0xffff, v38  }
0x57: {  	v60 =	vadd.s32 v19, v34;
	[tilespmem:v51+s20+$0x0] =	vst.idx.msk $0xffff, v50;
	v59 =	vld [tilespmem:s18+$0x20]  }
.Ltmp0:
0x58: {  	s22 =	sadd.s32 $0x1, s21;
	v41 =	vadd.s32 v23, v37;
	v38 =	vmov s21;
	[tilespmem:v49+s20+$0x0] =	vst.idx.msk $0xffff, v48;
	v40 =	vld [tilespmem:s18+$0x60];
	(pc) =	sbr.rel @p0 .LBB2_3-.Ltmp0, $4  }
0x59: {  	s23 =	sadd.s32 $0x3, s21;
	v52 =	vmov s22;
	s22 =	sadd.s32 $0x2, s21;
	v43 =	vadd.s32 v27, v36;
	v50 =	vshrl.u32 v38, $0x3;
	v42 =	vld [tilespmem:s18+$0xA0];
	[tilespmem:v46+s20+$0x0] =	vst.idx.msk $0xffff, v39  }
0x5a: {  	v54 =	vmov s22;
	s22 =	sadd.s32 $0x4, s21;
	v44 =	vmov s23;
	s23 =	sadd.s32 $0x5, s21;
	v48 =	vadd.s32 v3, v33;
	v45 =	vld [tilespmem:s18+$0xFFFFFF20];
	[tilespmem:v56+s20+$0x0] =	vst.idx.msk $0xffff, v55  }
0x5b: {  	v38 =	vmov s23;
	v51 =	vadd.s32 v8, v47;
	v46 =	vmov s22;
	s22 =	sadd.s32 $0x6, s21;
	v49 =	vld [tilespmem:s18+$0xFFFFFF70];
	[tilespmem:v58+s20+$0x0] =	vst.idx.msk $0xffff, v57  }
0x5c: {  	v53 =	vadd.s32 v12, v53;
	v47 =	vshll.u32 v50, v1;
	v39 =	vmov s22;
	s22 =	sadd.s32 $0x7, s21;
	s21 =	sadd.s32 $0x8, s21;
	v50 =	vld [tilespmem:s18+$0xFFFFFFB0];
	[tilespmem:v60+s20+$0x0] =	vst.idx.msk $0xffff, v59  }
0x5d: {  	_ =	sdelay $0x2  }
0x5e: {  	v52 =	vshrl.u32 v52, $0x3  }
0x5f: {  	v55 =	vmov s22;
	v56 =	vld [tilespmem:s18+$0xFFFFFFF0];
	v35 =	vadd.s32 v16, v35;
	[tilespmem:v41+s20+$0x0] =	vst.idx.msk $0xffff, v40;
	v34 =	vadd.s32 v20, v34  }
0x60: {  	v61 =	vshrl.u32 v54, $0x3;
	v63 =	vld [tilespmem:s18+$0x30];
	v37 =	vadd.s32 v24, v37;
	v36 =	vadd.s32 v28, v36;
	[tilespmem:v43+s20+$0x0] =	vst.idx.msk $0xffff, v42  }
0x61: {  	v33 =	vadd.s32 v4, v33;
	v62 =	vshrl.u32 v55, $0x3;
	v55 =	vshrl.u32 v44, $0x3;
	v43 =	vld [tilespmem:s18+$0x70];
	[tilespmem:v48+s20+$0x0] =	vst.idx.msk $0xffff, v45  }
0x62: {  	v44 =	vshrl.u32 v46, $0x3;
	v46 =	vbroadcast v47, $0x0;
	v41 =	vshll.u32 v62, v1;
	v45 =	vld [tilespmem:s18+$0xB0];
	[tilespmem:v51+s20+$0x0] =	vst.idx.msk $0xffff, v49  }
0x63: {  	s21 =	sadd.s32 $0x200, s18;
	v38 =	vshrl.u32 v38, $0x3;
	v40 =	vshll.u32 v61, v1;
	v41 =	vbroadcast v41, $0x0;
	v48 =	vld [tilespmem:s18+$0xFFFFFF30];
	[tilespmem:v53+s20+$0x0] =	vst.idx.msk $0xffff, v50  }
0x64: {  	v57 =	vshll.u32 v52, v1;
	v60 =	vld [tilespmem:s21+$0xFFFFFF00];
	v40 =	vbroadcast v40, $0x0;
	v61 =	vadd.s32 v0, v46;
	[tilespmem:v35+s20+$0x0] =	vst.idx.msk $0xffff, v56  }
0x65: {  	v58 =	vld [tilespmem:s21+$0xC0];
	v47 =	vbroadcast v57, $0x0;
	v42 =	vshll.u32 v55, v1;
	v59 =	vadd.s32 v29, v41;
	[tilespmem:v34+s20+$0x0] =	vst.idx.msk $0xffff, v63  }
0x66: {  	v54 =	vld [tilespmem:s21+$0xFFFFFF80];
	v44 =	vshll.u32 v44, v1;
	v42 =	vbroadcast v42, $0x0;
	v55 =	vadd.s32 v9, v40;
	[tilespmem:v37+s20+$0x0] =	vst.idx.msk $0xffff, v43  }
0x67: {  	v38 =	vshll.u32 v38, v1;
	v62 =	vld [tilespmem:s21+$0xFFFFFF40];
	v44 =	vbroadcast v44, $0x0;
	v63 =	vadd.s32 v5, v47;
	[tilespmem:v36+s20+$0x0] =	vst.idx.msk $0xffff, v45  }
0x68: {  	v39 =	vshrl.u32 v39, $0x3;
	v38 =	vbroadcast v38, $0x0;
	v36 =	vld [tilespmem:s21+$0xFFFFFFC0];
	v45 =	vadd.s32 v13, v42;
	[tilespmem:v33+s20+$0x0] =	vst.idx.msk $0xffff, v48  }
0x69: {  	v39 =	vshll.u32 v39, v1;
	v33 =	vld [tilespmem:s21+$0x0];
	v48 =	vadd.s32 v17, v44;
	[tilespmem:v61+s20+$0x0] =	vst.idx.msk $0xffff, v60  }
0x6a: {  	v35 =	vbroadcast v39, $0x0;
	[tilespmem:v59+s20+$0x0] =	vst.idx.msk $0xffff, v58;
	v58 =	vld [tilespmem:s21+$0x40];
	v59 =	vadd.s32 v21, v38  }
0x6b: {  	v57 =	vadd.s32 v30, v41;
	[tilespmem:v55+s20+$0x0] =	vst.idx.msk $0xffff, v54;
	v56 =	vld [tilespmem:s21+$0xD0]  }
0x6c: {  	v60 =	vld [tilespmem:s21+$0x80];
	v61 =	vadd.s32 v25, v35;
	[tilespmem:v63+s20+$0x0] =	vst.idx.msk $0xffff, v62  }
0x6d: {  	v55 =	vadd.s32 v10, v40;
	v54 =	vld [tilespmem:s21+$0xFFFFFF90];
	[tilespmem:v45+s20+$0x0] =	vst.idx.msk $0xffff, v36  }
0x6e: {  	v63 =	vadd.s32 v6, v47;
	v62 =	vld [tilespmem:s21+$0xFFFFFF50];
	[tilespmem:v48+s20+$0x0] =	vst.idx.msk $0xffff, v33  }
0x6f: {  	v33 =	vld [tilespmem:s21+$0xFFFFFFD0];
	v48 =	vadd.s32 v14, v42;
	[tilespmem:v59+s20+$0x0] =	vst.idx.msk $0xffff, v58  }
0x70: {  	[tilespmem:v57+s20+$0x0] =	vst.idx.msk $0xffff, v56;
	v56 =	vld [tilespmem:s21+$0x10];
	v57 =	vadd.s32 v18, v44  }
0x71: {  	[tilespmem:v61+s20+$0x0] =	vst.idx.msk $0xffff, v60;
	v59 =	vadd.s32 v22, v38;
	v58 =	vld [tilespmem:s21+$0x50]  }
0x72: {  	v39 =	vadd.s32 v31, v41;
	[tilespmem:v55+s20+$0x0] =	vst.idx.msk $0xffff, v54;
	v34 =	vld [tilespmem:s21+$0xE0]  }
0x73: {  	v61 =	vadd.s32 v26, v35;
	v60 =	vld [tilespmem:s21+$0x90];
	[tilespmem:v63+s20+$0x0] =	vst.idx.msk $0xffff, v62  }
0x74: {  	v62 =	vld [tilespmem:s21+$0xFFFFFF10];
	v63 =	vadd.s32 v2, v46;
	[tilespmem:v48+s20+$0x0] =	vst.idx.msk $0xffff, v33  }
0x75: {  	v55 =	vadd.s32 v7, v47;
	v54 =	vld [tilespmem:s21+$0xFFFFFF60];
	[tilespmem:v57+s20+$0x0] =	vst.idx.msk $0xffff, v56  }
0x76: {  	v56 =	vadd.s32 v32, v41;
	v41 =	vld [tilespmem:s21+$0xFFFFFFA0];
	v57 =	vadd.s32 v11, v40;
	[tilespmem:v59+s20+$0x0] =	vst.idx.msk $0xffff, v58  }
0x77: {  	v37 =	vld [tilespmem:s21+$0xFFFFFFE0];
	v58 =	vadd.s32 v15, v42;
	[tilespmem:v39+s20+$0x0] =	vst.idx.msk $0xffff, v34  }
0x78: {  	[tilespmem:v61+s20+$0x0] =	vst.idx.msk $0xffff, v60;
	v34 =	vld [tilespmem:s21+$0xF0]  }
0x79: {  	v60 =	vadd.s32 v19, v44;
	[tilespmem:v63+s20+$0x0] =	vst.idx.msk $0xffff, v62;
	v59 =	vld [tilespmem:s21+$0x20]  }
0x7a: {  	v62 =	vadd.s32 v23, v38;
	[tilespmem:v55+s20+$0x0] =	vst.idx.msk $0xffff, v54;
	v61 =	vld [tilespmem:s21+$0x60]  }
0x7b: {  	v63 =	vld [tilespmem:s21+$0xA0];
	v54 =	vadd.s32 v27, v35;
	[tilespmem:v57+s20+$0x0] =	vst.idx.msk $0xffff, v41  }
0x7c: {  	v47 =	vadd.s32 v8, v47;
	v57 =	vld [tilespmem:s21+$0xFFFFFF70];
	[tilespmem:v58+s20+$0x0] =	vst.idx.msk $0xffff, v37  }
0x7d: {  	v55 =	vld [tilespmem:s21+$0xFFFFFF20];
	[tilespmem:v56+s20+$0x0] =	vst.idx.msk $0xffff, v34;
	v56 =	vadd.s32 v3, v46  }
0x7e: {  	v40 =	vadd.s32 v12, v40;
	v58 =	vld [tilespmem:s21+$0xFFFFFFB0];
	[tilespmem:v60+s20+$0x0] =	vst.idx.msk $0xffff, v59  }
0x7f: {  	v42 =	vadd.s32 v16, v42;
	v59 =	vld [tilespmem:s21+$0xFFFFFFF0];
	[tilespmem:v62+s20+$0x0] =	vst.idx.msk $0xffff, v61  }
0x80: {  	v61 =	vadd.s32 v20, v44;
	[tilespmem:v54+s20+$0x0] =	vst.idx.msk $0xffff, v63;
	v60 =	vld [tilespmem:s21+$0x30]  }
0x81: {  	v38 =	vadd.s32 v24, v38;
	v62 =	vld [tilespmem:s21+$0x70];
	[tilespmem:v47+s20+$0x0] =	vst.idx.msk $0xffff, v57  }
0x82: {  	v35 =	vadd.s32 v28, v35;
	v63 =	vld [tilespmem:s21+$0xB0];
	[tilespmem:v56+s20+$0x0] =	vst.idx.msk $0xffff, v55  }
0x83: {  	v49 =	vadd.s32 v4, v46;
	[tilespmem:v40+s20+$0x0] =	vst.idx.msk $0xffff, v58;
	v48 =	vld [tilespmem:s21+$0xFFFFFF30]  }
0x84: {  	s15 =	sadd.s32 s6, s15;
	[tilespmem:v42+s20+$0x0] =	vst.idx.msk $0xffff, v59  }
0x85: {  	s22 =	sshll.u32 s15, $0x7;
	[tilespmem:v61+s20+$0x0] =	vst.idx.msk $0xffff, v60  }
0x86: {  	s15 =	sshll.u32 s15, $0xA;
	s18 =	sand.u32 $0xF00, s22;
	[tilespmem:v38+s20+$0x0] =	vst.idx.msk $0xffff, v62  }
0x87: {  	s23 =	sadd.s32 s2, s18;
	[tilespmem:v35+s20+$0x0] =	vst.idx.msk $0xffff, v63;
	s21 =	sand.u32 $0x7FFF8000, s15  }
0x88: {  	s21 =	sadd.s32 s21, s23;
	[tilespmem:v49+s20+$0x0] =	vst.idx.msk $0xffff, v48  }
0x89: {  	[hbm4b:s21+s3] =	stream.linear.scatter [tilespmem:s20], [sflag:$0x3], $0x80, $0x38;
	[tilespmem:$0xE800] =	vst v63  }
0x8a: {  	s23 =	simm.s32 $0xA488;
	s22 =	sadd.s32 $0x10, s21  }
0x8b: {  	[hbm4b:s22+s3] =	stream.linear.scatter [tilespmem:s23], [sflag:$0x3], $0x80, $0x38;
	[tilespmem:$0xE800] =	vst v63  }
0x8c: {  	s22 =	sadd.s32 $0x20, s21;
	s23 =	simm.s32 $0xA510  }
0x8d: {  	[hbm4b:s22+s3] =	stream.linear.scatter [tilespmem:s23], [sflag:$0x3], $0x80, $0x38;
	[tilespmem:$0xE800] =	vst v63  }
0x8e: {  	s22 =	sadd.s32 $0x30, s21;
	s23 =	simm.s32 $0xA598  }
0x8f: {  	[hbm4b:s22+s3] =	stream.linear.scatter [tilespmem:s23], [sflag:$0x3], $0x80, $0x38;
	[tilespmem:$0xE800] =	vst v63  }
0x90: {  	s22 =	sadd.s32 $0x40, s21;
	s23 =	simm.s32 $0xA620  }
0x91: {  	[hbm4b:s22+s3] =	stream.linear.scatter [tilespmem:s23], [sflag:$0x3], $0x80, $0x38;
	[tilespmem:$0xE800] =	vst v63  }
0x92: {  	s22 =	sadd.s32 $0x50, s21;
	s23 =	simm.s32 $0xA6A8  }
0x93: {  	[hbm4b:s22+s3] =	stream.linear.scatter [tilespmem:s23], [sflag:$0x3], $0x80, $0x38;
	[tilespmem:$0xE800] =	vst v63  }
0x94: {  	s15 =	sand.u32 $0x1FFF8000, s15;
	s22 =	sadd.s32 $0x60, s21;
	s23 =	simm.s32 $0xA730  }
0x95: {  	[hbm4b:s22+s3] =	stream.linear.scatter [tilespmem:s23], [sflag:$0x3], $0x80, $0x38;
	[tilespmem:$0xE800] =	vst v63  }
0x96: {  	s15 =	sor.u32 s18, s15;
	s21 =	sadd.s32 $0x70, s21;
	s23 =	simm.s32 $0xA7B8  }
0x97: {  	[hbm4b:s21+s3] =	stream.linear.scatter [tilespmem:s23], [sflag:$0x3], $0x80, $0x38;
	[tilespmem:$0xE800] =	vst v63  }
0x98: {  	s18 =	sadd.s32 s15, s7;
	s23 =	simm.s32 $0xA840  }
0x99: {  	[hbm4b:s18+s3] =	stream.linear.scatter [tilespmem:s23], [sflag:$0x3], $0x80, $0x38;
	[tilespmem:$0xE800] =	vst v63  }
0x9a: {  	s22 =	sadd.s32 $0x10, s18;
	s23 =	simm.s32 $0xA8C8  }
0x9b: {  	[hbm4b:s22+s3] =	stream.linear.scatter [tilespmem:s23], [sflag:$0x3], $0x80, $0x38;
	[tilespmem:$0xE800] =	vst v63  }
0x9c: {  	s22 =	sadd.s32 $0x20, s18;
	s23 =	simm.s32 $0xA950  }
0x9d: {  	[hbm4b:s22+s3] =	stream.linear.scatter [tilespmem:s23], [sflag:$0x3], $0x80, $0x38;
	[tilespmem:$0xE800] =	vst v63  }
0x9e: {  	s22 =	sadd.s32 $0x30, s18;
	s23 =	simm.s32 $0xA9D8  }
0x9f: {  	[hbm4b:s22+s3] =	stream.linear.scatter [tilespmem:s23], [sflag:$0x3], $0x80, $0x38;
	[tilespmem:$0xE800] =	vst v63  }
0xa0: {  	s22 =	sadd.s32 $0x40, s18;
	s23 =	simm.s32 $0xAA60  }
0xa1: {  	[hbm4b:s22+s3] =	stream.linear.scatter [tilespmem:s23], [sflag:$0x3], $0x80, $0x38;
	[tilespmem:$0xE800] =	vst v63  }
0xa2: {  	s22 =	sadd.s32 $0x50, s18;
	s23 =	simm.s32 $0xAAE8  }
0xa3: {  	[hbm4b:s22+s3] =	stream.linear.scatter [tilespmem:s23], [sflag:$0x3], $0x80, $0x38;
	[tilespmem:$0xE800] =	vst v63  }
0xa4: {  	s22 =	sadd.s32 $0x60, s18;
	s23 =	simm.s32 $0xAB70  }
0xa5: {  	[hbm4b:s22+s3] =	stream.linear.scatter [tilespmem:s23], [sflag:$0x3], $0x80, $0x38;
	[tilespmem:$0xE800] =	vst v63  }
0xa6: {  	s18 =	sadd.s32 $0x70, s18;
	s22 =	simm.s32 $0xABF8  }
0xa7: {  	[hbm4b:s18+s3] =	stream.linear.scatter [tilespmem:s22], [sflag:$0x3], $0x80, $0x38;
	[tilespmem:$0xE800] =	vst v63  }
0xa8: {  	s23 =	simm.s32 $0xAC80;
	s18 =	sadd.s32 s15, s8  }
0xa9: {  	[hbm4b:s18+s3] =	stream.linear.scatter [tilespmem:s23], [sflag:$0x3], $0x80, $0x38;
	[tilespmem:$0xE800] =	vst v63  }
0xaa: {  	s22 =	sadd.s32 $0x10, s18;
	s23 =	simm.s32 $0xAD08  }
0xab: {  	[hbm4b:s22+s3] =	stream.linear.scatter [tilespmem:s23], [sflag:$0x3], $0x80, $0x38;
	[tilespmem:$0xE800] =	vst v63  }
0xac: {  	s22 =	sadd.s32 $0x20, s18;
	s23 =	simm.s32 $0xAD90  }
0xad: {  	[hbm4b:s22+s3] =	stream.linear.scatter [tilespmem:s23], [sflag:$0x3], $0x80, $0x38;
	[tilespmem:$0xE800] =	vst v63  }
0xae: {  	s22 =	sadd.s32 $0x30, s18;
	s23 =	simm.s32 $0xAE18  }
0xaf: {  	[hbm4b:s22+s3] =	stream.linear.scatter [tilespmem:s23], [sflag:$0x3], $0x80, $0x38;
	[tilespmem:$0xE800] =	vst v63  }
0xb0: {  	s22 =	sadd.s32 $0x40, s18;
	s23 =	simm.s32 $0xAEA0  }
0xb1: {  	[hbm4b:s22+s3] =	stream.linear.scatter [tilespmem:s23], [sflag:$0x3], $0x80, $0x38;
	[tilespmem:$0xE800] =	vst v63  }
0xb2: {  	s22 =	sadd.s32 $0x50, s18;
	s23 =	simm.s32 $0xAF28  }
0xb3: {  	[hbm4b:s22+s3] =	stream.linear.scatter [tilespmem:s23], [sflag:$0x3], $0x80, $0x38;
	[tilespmem:$0xE800] =	vst v63  }
0xb4: {  	s22 =	sadd.s32 $0x60, s18;
	s23 =	simm.s32 $0xAFB0  }
0xb5: {  	[hbm4b:s22+s3] =	stream.linear.scatter [tilespmem:s23], [sflag:$0x3], $0x80, $0x38;
	[tilespmem:$0xE800] =	vst v63  }
0xb6: {  	s18 =	sadd.s32 $0x70, s18;
	s22 =	simm.s32 $0xB038  }
0xb7: {  	[hbm4b:s18+s3] =	stream.linear.scatter [tilespmem:s22], [sflag:$0x3], $0x80, $0x38;
	[tilespmem:$0xE800] =	vst v63  }
0xb8: {  	s23 =	simm.s32 $0xB0C0;
	s18 =	sadd.s32 s15, s9  }
0xb9: {  	[hbm4b:s18+s3] =	stream.linear.scatter [tilespmem:s23], [sflag:$0x3], $0x80, $0x38;
	[tilespmem:$0xE800] =	vst v63  }
0xba: {  	s22 =	sadd.s32 $0x10, s18;
	s23 =	simm.s32 $0xB148  }
0xbb: {  	[hbm4b:s22+s3] =	stream.linear.scatter [tilespmem:s23], [sflag:$0x3], $0x80, $0x38;
	[tilespmem:$0xE800] =	vst v63  }
0xbc: {  	s22 =	sadd.s32 $0x20, s18;
	s23 =	simm.s32 $0xB1D0  }
0xbd: {  	[hbm4b:s22+s3] =	stream.linear.scatter [tilespmem:s23], [sflag:$0x3], $0x80, $0x38;
	[tilespmem:$0xE800] =	vst v63  }
0xbe: {  	s22 =	sadd.s32 $0x30, s18;
	s23 =	simm.s32 $0xB258  }
0xbf: {  	[hbm4b:s22+s3] =	stream.linear.scatter [tilespmem:s23], [sflag:$0x3], $0x80, $0x38;
	[tilespmem:$0xE800] =	vst v63  }
0xc0: {  	s22 =	sadd.s32 $0x40, s18;
	s23 =	simm.s32 $0xB2E0  }
0xc1: {  	[hbm4b:s22+s3] =	stream.linear.scatter [tilespmem:s23], [sflag:$0x3], $0x80, $0x38;
	[tilespmem:$0xE800] =	vst v63  }
0xc2: {  	s22 =	sadd.s32 $0x50, s18;
	s23 =	simm.s32 $0xB368  }
0xc3: {  	[hbm4b:s22+s3] =	stream.linear.scatter [tilespmem:s23], [sflag:$0x3], $0x80, $0x38;
	[tilespmem:$0xE800] =	vst v63  }
0xc4: {  	s22 =	sadd.s32 $0x60, s18;
	s23 =	simm.s32 $0xB3F0  }
0xc5: {  	[hbm4b:s22+s3] =	stream.linear.scatter [tilespmem:s23], [sflag:$0x3], $0x80, $0x38;
	[tilespmem:$0xE800] =	vst v63  }
0xc6: {  	s18 =	sadd.s32 $0x70, s18;
	s22 =	simm.s32 $0xB478  }
0xc7: {  	[hbm4b:s18+s3] =	stream.linear.scatter [tilespmem:s22], [sflag:$0x3], $0x80, $0x38;
	[tilespmem:$0xE800] =	vst v63  }
0xc8: {  	s23 =	simm.s32 $0xB500;
	s18 =	sadd.s32 s15, s10  }
0xc9: {  	[hbm4b:s18+s3] =	stream.linear.scatter [tilespmem:s23], [sflag:$0x3], $0x80, $0x38;
	[tilespmem:$0xE800] =	vst v63  }
0xca: {  	s22 =	sadd.s32 $0x10, s18;
	s23 =	simm.s32 $0xB588  }
0xcb: {  	[hbm4b:s22+s3] =	stream.linear.scatter [tilespmem:s23], [sflag:$0x3], $0x80, $0x38;
	[tilespmem:$0xE800] =	vst v63  }
0xcc: {  	s22 =	sadd.s32 $0x20, s18;
	s23 =	simm.s32 $0xB610  }
0xcd: {  	[hbm4b:s22+s3] =	stream.linear.scatter [tilespmem:s23], [sflag:$0x3], $0x80, $0x38;
	[tilespmem:$0xE800] =	vst v63  }
0xce: {  	s22 =	sadd.s32 $0x30, s18;
	s23 =	simm.s32 $0xB698  }
0xcf: {  	[hbm4b:s22+s3] =	stream.linear.scatter [tilespmem:s23], [sflag:$0x3], $0x80, $0x38;
	[tilespmem:$0xE800] =	vst v63  }
0xd0: {  	s22 =	sadd.s32 $0x40, s18;
	s23 =	simm.s32 $0xB720  }
0xd1: {  	[hbm4b:s22+s3] =	stream.linear.scatter [tilespmem:s23], [sflag:$0x3], $0x80, $0x38;
	[tilespmem:$0xE800] =	vst v63  }
0xd2: {  	s22 =	sadd.s32 $0x50, s18;
	s23 =	simm.s32 $0xB7A8  }
0xd3: {  	[hbm4b:s22+s3] =	stream.linear.scatter [tilespmem:s23], [sflag:$0x3], $0x80, $0x38;
	[tilespmem:$0xE800] =	vst v63  }
0xd4: {  	s22 =	sadd.s32 $0x60, s18;
	s23 =	simm.s32 $0xB830  }
0xd5: {  	[hbm4b:s22+s3] =	stream.linear.scatter [tilespmem:s23], [sflag:$0x3], $0x80, $0x38;
	[tilespmem:$0xE800] =	vst v63  }
0xd6: {  	s18 =	sadd.s32 $0x70, s18;
	s22 =	simm.s32 $0xB8B8  }
0xd7: {  	[hbm4b:s18+s3] =	stream.linear.scatter [tilespmem:s22], [sflag:$0x3], $0x80, $0x38;
	[tilespmem:$0xE800] =	vst v63  }
0xd8: {  	s23 =	simm.s32 $0xB940;
	s18 =	sadd.s32 s15, s11  }
0xd9: {  	[hbm4b:s18+s3] =	stream.linear.scatter [tilespmem:s23], [sflag:$0x3], $0x80, $0x38;
	[tilespmem:$0xE800] =	vst v63  }
0xda: {  	s22 =	sadd.s32 $0x10, s18;
	s23 =	simm.s32 $0xB9C8  }
0xdb: {  	[hbm4b:s22+s3] =	stream.linear.scatter [tilespmem:s23], [sflag:$0x3], $0x80, $0x38;
	[tilespmem:$0xE800] =	vst v63  }
0xdc: {  	s22 =	sadd.s32 $0x20, s18;
	s23 =	simm.s32 $0xBA50  }
0xdd: {  	[hbm4b:s22+s3] =	stream.linear.scatter [tilespmem:s23], [sflag:$0x3], $0x80, $0x38;
	[tilespmem:$0xE800] =	vst v63  }
0xde: {  	s22 =	sadd.s32 $0x30, s18;
	s23 =	simm.s32 $0xBAD8  }
0xdf: {  	[hbm4b:s22+s3] =	stream.linear.scatter [tilespmem:s23], [sflag:$0x3], $0x80, $0x38;
	[tilespmem:$0xE800] =	vst v63  }
0xe0: {  	s22 =	sadd.s32 $0x40, s18;
	s23 =	simm.s32 $0xBB60  }
0xe1: {  	[hbm4b:s22+s3] =	stream.linear.scatter [tilespmem:s23], [sflag:$0x3], $0x80, $0x38;
	[tilespmem:$0xE800] =	vst v63  }
0xe2: {  	s22 =	sadd.s32 $0x50, s18;
	s23 =	simm.s32 $0xBBE8  }
0xe3: {  	[hbm4b:s22+s3] =	stream.linear.scatter [tilespmem:s23], [sflag:$0x3], $0x80, $0x38;
	[tilespmem:$0xE800] =	vst v63  }
0xe4: {  	s22 =	sadd.s32 $0x60, s18;
	s23 =	simm.s32 $0xBC70  }
0xe5: {  	[hbm4b:s22+s3] =	stream.linear.scatter [tilespmem:s23], [sflag:$0x3], $0x80, $0x38;
	[tilespmem:$0xE800] =	vst v63  }
0xe6: {  	s18 =	sadd.s32 $0x70, s18;
	s22 =	simm.s32 $0xBCF8  }
0xe7: {  	[hbm4b:s18+s3] =	stream.linear.scatter [tilespmem:s22], [sflag:$0x3], $0x80, $0x38;
	[tilespmem:$0xE800] =	vst v63  }
0xe8: {  	s23 =	simm.s32 $0xBD80;
	s18 =	sadd.s32 s15, s12  }
0xe9: {  	[hbm4b:s18+s3] =	stream.linear.scatter [tilespmem:s23], [sflag:$0x3], $0x80, $0x38;
	[tilespmem:$0xE800] =	vst v63  }
0xea: {  	s22 =	sadd.s32 $0x10, s18;
	s23 =	simm.s32 $0xBE08  }
0xeb: {  	[hbm4b:s22+s3] =	stream.linear.scatter [tilespmem:s23], [sflag:$0x3], $0x80, $0x38;
	[tilespmem:$0xE800] =	vst v63  }
0xec: {  	s22 =	sadd.s32 $0x20, s18;
	s23 =	simm.s32 $0xBE90  }
0xed: {  	[hbm4b:s22+s3] =	stream.linear.scatter [tilespmem:s23], [sflag:$0x3], $0x80, $0x38;
	[tilespmem:$0xE800] =	vst v63  }
0xee: {  	s22 =	sadd.s32 $0x30, s18;
	s23 =	simm.s32 $0xBF18  }
0xef: {  	[hbm4b:s22+s3] =	stream.linear.scatter [tilespmem:s23], [sflag:$0x3], $0x80, $0x38;
	[tilespmem:$0xE800] =	vst v63  }
0xf0: {  	s22 =	sadd.s32 $0x40, s18;
	s23 =	simm.s32 $0xBFA0  }
0xf1: {  	[hbm4b:s22+s3] =	stream.linear.scatter [tilespmem:s23], [sflag:$0x3], $0x80, $0x38;
	[tilespmem:$0xE800] =	vst v63  }
0xf2: {  	s22 =	sadd.s32 $0x50, s18;
	s23 =	simm.s32 $0xC028  }
0xf3: {  	[hbm4b:s22+s3] =	stream.linear.scatter [tilespmem:s23], [sflag:$0x3], $0x80, $0x38;
	[tilespmem:$0xE800] =	vst v63  }
0xf4: {  	s22 =	sadd.s32 $0x60, s18;
	s23 =	simm.s32 $0xC0B0  }
0xf5: {  	[hbm4b:s22+s3] =	stream.linear.scatter [tilespmem:s23], [sflag:$0x3], $0x80, $0x38;
	[tilespmem:$0xE800] =	vst v63  }
0xf6: {  	s18 =	sadd.s32 $0x70, s18;
	s23 =	simm.s32 $0xC138  }
0xf7: {  	[hbm4b:s18+s3] =	stream.linear.scatter [tilespmem:s23], [sflag:$0x3], $0x80, $0x38;
	[tilespmem:$0xE800] =	vst v63  }
0xf8: {  	s21 =	simm.s32 $0xC1C0;
	s15 =	sadd.s32 s15, s13  }
0xf9: {  	[hbm4b:s15+s3] =	stream.linear.scatter [tilespmem:s21], [sflag:$0x3], $0x80, $0x38;
	[tilespmem:$0xE800] =	vst v63  }
0xfa: {  	s22 =	sadd.s32 $0x10, s15;
	s23 =	simm.s32 $0xC248  }
0xfb: {  	[hbm4b:s22+s3] =	stream.linear.scatter [tilespmem:s23], [sflag:$0x3], $0x80, $0x38;
	[tilespmem:$0xE800] =	vst v63  }
0xfc: {  	s22 =	sadd.s32 $0x20, s15;
	s23 =	simm.s32 $0xC2D0  }
0xfd: {  	[hbm4b:s22+s3] =	stream.linear.scatter [tilespmem:s23], [sflag:$0x3], $0x80, $0x38;
	[tilespmem:$0xE800] =	vst v63  }
0xfe: {  	s22 =	sadd.s32 $0x30, s15;
	s23 =	simm.s32 $0xC358  }
0xff: {  	[hbm4b:s22+s3] =	stream.linear.scatter [tilespmem:s23], [sflag:$0x3], $0x80, $0x38;
	[tilespmem:$0xE800] =	vst v63  }
0x100: {  	s22 =	sadd.s32 $0x40, s15;
	s23 =	simm.s32 $0xC3E0  }
0x101: {  	[hbm4b:s22+s3] =	stream.linear.scatter [tilespmem:s23], [sflag:$0x3], $0x80, $0x38;
	[tilespmem:$0xE800] =	vst v63  }
0x102: {  	s22 =	sadd.s32 $0x50, s15;
	s23 =	simm.s32 $0xC468  }
0x103: {  	[hbm4b:s22+s3] =	stream.linear.scatter [tilespmem:s23], [sflag:$0x3], $0x80, $0x38;
	[tilespmem:$0xE800] =	vst v63  }
0x104: {  	s21 =	sadd.s32 $0x60, s15;
	s22 =	simm.s32 $0xC4F0  }
0x105: {  	[hbm4b:s21+s3] =	stream.linear.scatter [tilespmem:s22], [sflag:$0x3], $0x80, $0x38;
	[tilespmem:$0xE800] =	vst v63  }
0x106: {  	p0 =	seq.s32 s5, $0x63;
	s15 =	sadd.s32 $0x70, s15;
	s23 =	simm.s32 $0xC578  }
0x107: {  	[hbm4b:s15+s3] =	stream.linear.scatter [tilespmem:s23], [sflag:$0x3], $0x80, $0x38;
	[tilespmem:$0xE800] =	vst v63  }
0x108: {  	p1 =	seq.s32 @!p0 s5, $0x0;
	s15 =	sshll.u32 @!p0 s5, $0x8  }
0x109: {  	s18 =	simm.s32 @!p0 $0x80;
	s22 =	simm.s32 $0x2;
	s15 =	sand.u32 @!p0 $0x3FFFFF00, s15  }
0x10a: {  	s21 =	simm.s32 @!p0 $0x6400;
	v52 =	vmov s22;
	s22 =	simm.s32 $0x7;
	s15 =	sadd.s32 @!p0 $0x100, s15  }
0x10b: {  	[tilespmem:s21], [sflag:$0x1] =	stream.indirect.gather @!p0 [hbm4b:s4+s18], $0x40, s15, s18, $0xb8;
	[tilespmem:$0xE800] =	vst v63  }
0x10c: {  	s23 =	simm.s32 $0x3;
	v55 =	vmov s22;
	s22 =	simm.s32 $0x6;
	v35 =	vshrl.u32 v52, $0x3;
	p0 =	por p0, !p1  }
0x10d: {  	v53 =	vmov s23;
	s23 =	simm.s32 $0x5;
	v38 =	vshrl.u32 v55, $0x3;
	v40 =	vmov s22;
	_ =	swait.ge @p0 [sflag:s1], $0x2000  }
0x10e: {  	v56 =	vshll.u32 v35, v1;
	v39 =	vmov s23;
	v38 =	vshll.u32 v38, v1;
	s21 =	simm.s32 $0x1;
	[sflag:s1] =	ssyncset.done @p0 $0x0  }
0x10f: {  	v36 =	vshrl.u32 v53, $0x3;
	v52 =	vbroadcast v56, $0x0;
	v51 =	vmov s21;
	[sflag:s1] =	ssyncadd.s32 @p0 $0xFFFFE000  }
0x110: {  	v40 =	vshrl.u32 v40, $0x3;
	s18 =	simm.s32 $0x0;
	v38 =	vbroadcast v38, $0x0;
	v34 =	vshrl.u32 v51, $0x3;
	_ =	swait.ge [sflag:s0], $0x2000  }
0x111: {  	v58 =	vshll.u32 v36, v1;
	v50 =	vmov s18;
	v34 =	vshll.u32 v34, v1;
	[sflag:s0] =	ssyncset.done $0x0  }
0x112: {  	s15 =	simm.s32 $0x8500;
	v55 =	vshrl.u32 v39, $0x3;
	s21 =	simm.s32 $0x4;
	v33 =	vshrl.u32 v50, $0x3;
	v45 =	vbroadcast v34, $0x0;
	[sflag:s0] =	ssyncadd.s32 $0xFFFFE000  }
0x113: {  	v54 =	vmov s21;
	v42 =	vadd.s32 v29, v38;
	v33 =	vshll.u32 v33, v1;
	v41 =	vld [tilespmem:s15+$0xC0]  }
0x114: {  	v37 =	vshrl.u32 v54, $0x3;
	v33 =	vbroadcast v33, $0x0;
	v60 =	vadd.s32 v5, v45;
	v59 =	vld [tilespmem:s15+$0xFFFFFF40]  }
0x115: {  	v35 =	vbroadcast v58, $0x0;
	v63 =	vadd.s32 v9, v52;
	v61 =	vshll.u32 v37, v1;
	v62 =	vld [tilespmem:s15+$0xFFFFFF80]  }
0x116: {  	v36 =	vshll.u32 v55, v1;
	v34 =	vbroadcast v61, $0x0;
	v57 =	vadd.s32 v0, v33;
	v43 =	vld [tilespmem:s15+$0xFFFFFF00]  }
0x117: {  	v56 =	vshll.u32 v40, v1;
	v50 =	vadd.s32 v13, v35;
	v37 =	vbroadcast v36, $0x0;
	v39 =	vld [tilespmem:s15+$0xFFFFFFC0]  }
0x118: {  	v36 =	vbroadcast v56, $0x0;
	v51 =	vld [tilespmem:s15+$0x0];
	v53 =	vadd.s32 v17, v34;
	[tilespmem:v42+s17+$0x0] =	vst.idx.msk $0xffff, v41  }
0x119: {  	[tilespmem:v60+s17+$0x0] =	vst.idx.msk $0xffff, v59;
	v59 =	vld [tilespmem:s15+$0x40];
	v60 =	vadd.s32 v21, v37  }
0x11a: {  	v61 =	vld [tilespmem:s15+$0x80];
	[tilespmem:v63+s17+$0x0] =	vst.idx.msk $0xffff, v62;
	v62 =	vadd.s32 v25, v36  }
0x11b: {  	v58 =	vadd.s32 v30, v38;
	[tilespmem:v57+s17+$0x0] =	vst.idx.msk $0xffff, v43;
	v57 =	vld [tilespmem:s15+$0xD0]  }
0x11c: {  	v63 =	vadd.s32 v6, v45;
	[tilespmem:v50+s17+$0x0] =	vst.idx.msk $0xffff, v39;
	v47 =	vld [tilespmem:s15+$0xFFFFFF50]  }
0x11d: {  	v55 =	vadd.s32 v10, v52;
	[tilespmem:v53+s17+$0x0] =	vst.idx.msk $0xffff, v51;
	v54 =	vld [tilespmem:s15+$0xFFFFFF90]  }
0x11e: {  	v56 =	vadd.s32 v14, v35;
	v50 =	vld [tilespmem:s15+$0xFFFFFFD0];
	[tilespmem:v60+s17+$0x0] =	vst.idx.msk $0xffff, v59  }
0x11f: {  	[tilespmem:v62+s17+$0x0] =	vst.idx.msk $0xffff, v61;
	v61 =	vld [tilespmem:s15+$0xFFFFFF10];
	v62 =	vadd.s32 v2, v33  }
0x120: {  	v59 =	vadd.s32 v18, v34;
	[tilespmem:v58+s17+$0x0] =	vst.idx.msk $0xffff, v57;
	v58 =	vld [tilespmem:s15+$0x10]  }
0x121: {  	v57 =	vadd.s32 v31, v38;
	[tilespmem:v63+s17+$0x0] =	vst.idx.msk $0xffff, v47;
	v40 =	vld [tilespmem:s15+$0xE0]  }
0x122: {  	v46 =	vadd.s32 v22, v37;
	v44 =	vld [tilespmem:s15+$0x50];
	[tilespmem:v55+s17+$0x0] =	vst.idx.msk $0xffff, v54  }
0x123: {  	v60 =	vadd.s32 v26, v36;
	v63 =	vld [tilespmem:s15+$0x90];
	[tilespmem:v56+s17+$0x0] =	vst.idx.msk $0xffff, v50  }
0x124: {  	v51 =	vadd.s32 v7, v45;
	v50 =	vld [tilespmem:s15+$0xFFFFFF60];
	[tilespmem:v62+s17+$0x0] =	vst.idx.msk $0xffff, v61  }
0x125: {  	v56 =	vadd.s32 v11, v52;
	v55 =	vld [tilespmem:s15+$0xFFFFFFA0];
	[tilespmem:v59+s17+$0x0] =	vst.idx.msk $0xffff, v58  }
0x126: {  	v58 =	vadd.s32 v15, v35;
	[tilespmem:v57+s17+$0x0] =	vst.idx.msk $0xffff, v40;
	v57 =	vld [tilespmem:s15+$0xFFFFFFE0]  }
0x127: {  	v38 =	vadd.s32 v32, v38;
	[tilespmem:v46+s17+$0x0] =	vst.idx.msk $0xffff, v44;
	v54 =	vld [tilespmem:s15+$0xF0]  }
0x128: {  	[tilespmem:v60+s17+$0x0] =	vst.idx.msk $0xffff, v63;
	v60 =	vadd.s32 v19, v34;
	v59 =	vld [tilespmem:s15+$0x20]  }
0x129: {  	s23 =	simm.s32 $0x8;
	s21 =	simm.s32 $0x9;
	v48 =	vadd.s32 v3, v33;
	v41 =	vadd.s32 v23, v37;
	[tilespmem:v51+s17+$0x0] =	vst.idx.msk $0xffff, v50;
	v40 =	vld [tilespmem:s15+$0x60]  }
0x12a: {  	v53 =	vmov s21;
	v43 =	vadd.s32 v27, v36;
	s21 =	simm.s32 $0xC;
	v63 =	vmov s23;
	v42 =	vld [tilespmem:s15+$0xA0];
	[tilespmem:v56+s17+$0x0] =	vst.idx.msk $0xffff, v55  }
0x12b: {  	s22 =	simm.s32 $0xA;
	v47 =	vmov s21;
	v52 =	vadd.s32 v12, v52;
	s23 =	simm.s32 $0xB;
	v46 =	vld [tilespmem:s15+$0xFFFFFF20];
	v39 =	vshrl.u32 v63, $0x3;
	[tilespmem:v58+s17+$0x0] =	vst.idx.msk $0xffff, v57  }
0x12c: {  	v44 =	vmov s23;
	s23 =	simm.s32 $0xE;
	v51 =	vadd.s32 v8, v45;
	v49 =	vld [tilespmem:s15+$0xFFFFFF70];
	[tilespmem:v38+s17+$0x0] =	vst.idx.msk $0xffff, v54;
	v54 =	vmov s22;
	s22 =	simm.s32 $0xD  }
0x12d: {  	s18 =	simm.s32 $0x10;
	s21 =	simm.s32 $0xF;
	v45 =	vshll.u32 v39, v1;
	v39 =	vmov s23;
	v50 =	vld [tilespmem:s15+$0xFFFFFFB0];
	[tilespmem:v60+s17+$0x0] =	vst.idx.msk $0xffff, v59;
	v38 =	vmov s22  }
.LBB2_5:
0x12e: {  	p0 =	slt.u32 s18, $0x78;
	v53 =	vshrl.u32 v53, $0x3;
	v55 =	vmov s21;
	v56 =	vld [tilespmem:s15+$0xFFFFFFF0];
	v35 =	vadd.s32 v16, v35;
	[tilespmem:v41+s17+$0x0] =	vst.idx.msk $0xffff, v40  }
0x12f: {  	v40 =	vshrl.u32 v54, $0x3;
	v34 =	vadd.s32 v20, v34;
	v41 =	vshrl.u32 v55, $0x3;
	v54 =	vld [tilespmem:s15+$0x30];
	[tilespmem:v43+s17+$0x0] =	vst.idx.msk $0xffff, v42  }
0x130: {  	v37 =	vadd.s32 v24, v37;
	v42 =	vshrl.u32 v44, $0x3;
	v41 =	vshll.u32 v41, v1;
	[tilespmem:v48+s17+$0x0] =	vst.idx.msk $0xffff, v46;
	v43 =	vld [tilespmem:s15+$0x70]  }
0x131: {  	v36 =	vadd.s32 v28, v36;
	v44 =	vshrl.u32 v47, $0x3;
	v41 =	vbroadcast v41, $0x0;
	[tilespmem:v51+s17+$0x0] =	vst.idx.msk $0xffff, v49;
	v46 =	vld [tilespmem:s15+$0xB0]  }
0x132: {  	v47 =	vshll.u32 v53, v1;
	v49 =	vadd.s32 v4, v33;
	v33 =	vbroadcast v45, $0x0;
	v48 =	vld [tilespmem:s15+$0xFFFFFF30];
	[tilespmem:v52+s17+$0x0] =	vst.idx.msk $0xffff, v50;
	s15 =	sadd.s32 $0x200, s15  }
0x133: {  	v40 =	vshll.u32 v40, v1;
	v45 =	vbroadcast v47, $0x0;
	v47 =	vld [tilespmem:s15+$0xC0];
	v50 =	vadd.s32 v29, v41;
	[tilespmem:v35+s17+$0x0] =	vst.idx.msk $0xffff, v56  }
0x134: {  	v55 =	vbroadcast v40, $0x0;
	v52 =	vadd.s32 v0, v33;
	v35 =	vshll.u32 v42, v1;
	v51 =	vld [tilespmem:s15+$0xFFFFFF00];
	[tilespmem:v34+s17+$0x0] =	vst.idx.msk $0xffff, v54  }
0x135: {  	v42 =	vadd.s32 v5, v45;
	v35 =	vbroadcast v35, $0x0;
	v34 =	vshll.u32 v44, v1;
	v40 =	vld [tilespmem:s15+$0xFFFFFF40];
	[tilespmem:v37+s17+$0x0] =	vst.idx.msk $0xffff, v43  }
0x136: {  	v44 =	vadd.s32 v9, v55;
	v34 =	vbroadcast v34, $0x0;
	v37 =	vshrl.u32 v38, $0x3;
	v43 =	vld [tilespmem:s15+$0xFFFFFF80];
	[tilespmem:v36+s17+$0x0] =	vst.idx.msk $0xffff, v46  }
0x137: {  	v39 =	vshrl.u32 v39, $0x3;
	v46 =	vadd.s32 v13, v35;
	v36 =	vshll.u32 v37, v1;
	v38 =	vld [tilespmem:s15+$0xFFFFFFC0];
	[tilespmem:v49+s17+$0x0] =	vst.idx.msk $0xffff, v48  }
0x138: {  	v49 =	vadd.s32 v17, v34;
	v37 =	vbroadcast v36, $0x0;
	v36 =	vshll.u32 v39, v1;
	v48 =	vld [tilespmem:s15+$0x0];
	[tilespmem:v50+s17+$0x0] =	vst.idx.msk $0xffff, v47  }
0x139: {  	v36 =	vbroadcast v36, $0x0;
	v47 =	vadd.s32 v30, v41;
	[tilespmem:v52+s17+$0x0] =	vst.idx.msk $0xffff, v51;
	v39 =	vld [tilespmem:s15+$0xD0]  }
0x13a: {  	[tilespmem:v42+s17+$0x0] =	vst.idx.msk $0xffff, v40;
	v40 =	vld [tilespmem:s15+$0x40];
	v42 =	vadd.s32 v21, v37  }
0x13b: {  	[tilespmem:v44+s17+$0x0] =	vst.idx.msk $0xffff, v43;
	v43 =	vld [tilespmem:s15+$0x80];
	v44 =	vadd.s32 v25, v36  }
0x13c: {  	v51 =	vadd.s32 v6, v45;
	v50 =	vld [tilespmem:s15+$0xFFFFFF50];
	[tilespmem:v46+s17+$0x0] =	vst.idx.msk $0xffff, v38  }
0x13d: {  	v46 =	vadd.s32 v10, v55;
	v38 =	vld [tilespmem:s15+$0xFFFFFF90];
	[tilespmem:v49+s17+$0x0] =	vst.idx.msk $0xffff, v48  }
0x13e: {  	v49 =	vadd.s32 v14, v35;
	v48 =	vld [tilespmem:s15+$0xFFFFFFD0];
	[tilespmem:v47+s17+$0x0] =	vst.idx.msk $0xffff, v39  }
0x13f: {  	[tilespmem:v42+s17+$0x0] =	vst.idx.msk $0xffff, v40;
	v39 =	vld [tilespmem:s15+$0xE0];
	v40 =	vadd.s32 v31, v41  }
0x140: {  	v47 =	vadd.s32 v18, v34;
	v42 =	vld [tilespmem:s15+$0x10];
	[tilespmem:v44+s17+$0x0] =	vst.idx.msk $0xffff, v43  }
0x141: {  	v44 =	vadd.s32 v22, v37;
	[tilespmem:v51+s17+$0x0] =	vst.idx.msk $0xffff, v50;
	v43 =	vld [tilespmem:s15+$0x50]  }
0x142: {  	[tilespmem:v46+s17+$0x0] =	vst.idx.msk $0xffff, v38;
	v38 =	vld [tilespmem:s15+$0x90];
	v46 =	vadd.s32 v26, v36  }
0x143: {  	v51 =	vadd.s32 v2, v33;
	v50 =	vld [tilespmem:s15+$0xFFFFFF10];
	[tilespmem:v49+s17+$0x0] =	vst.idx.msk $0xffff, v48  }
0x144: {  	v49 =	vadd.s32 v7, v45;
	v48 =	vld [tilespmem:s15+$0xFFFFFF60];
	[tilespmem:v40+s17+$0x0] =	vst.idx.msk $0xffff, v39  }
0x145: {  	[tilespmem:v47+s17+$0x0] =	vst.idx.msk $0xffff, v42;
	v39 =	vld [tilespmem:s15+$0xF0];
	v47 =	vadd.s32 v32, v41  }
0x146: {  	v56 =	vadd.s32 v11, v55;
	v52 =	vld [tilespmem:s15+$0xFFFFFFA0];
	[tilespmem:v44+s17+$0x0] =	vst.idx.msk $0xffff, v43  }
0x147: {  	v58 =	vadd.s32 v15, v35;
	v57 =	vld [tilespmem:s15+$0xFFFFFFE0];
	[tilespmem:v46+s17+$0x0] =	vst.idx.msk $0xffff, v38  }
0x148: {  	v60 =	vadd.s32 v19, v34;
	[tilespmem:v51+s17+$0x0] =	vst.idx.msk $0xffff, v50;
	v59 =	vld [tilespmem:s15+$0x20]  }
.Ltmp1:
0x149: {  	s21 =	sadd.s32 $0x1, s18;
	v41 =	vadd.s32 v23, v37;
	v38 =	vmov s18;
	[tilespmem:v49+s17+$0x0] =	vst.idx.msk $0xffff, v48;
	v40 =	vld [tilespmem:s15+$0x60];
	(pc) =	sbr.rel @p0 .LBB2_5-.Ltmp1, $4  }
0x14a: {  	s22 =	sadd.s32 $0x3, s18;
	v53 =	vmov s21;
	s21 =	sadd.s32 $0x2, s18;
	v43 =	vadd.s32 v27, v36;
	v50 =	vshrl.u32 v38, $0x3;
	v42 =	vld [tilespmem:s15+$0xA0];
	[tilespmem:v47+s17+$0x0] =	vst.idx.msk $0xffff, v39  }
0x14b: {  	v54 =	vmov s21;
	s21 =	sadd.s32 $0x4, s18;
	v44 =	vmov s22;
	s22 =	sadd.s32 $0x5, s18;
	v48 =	vadd.s32 v3, v33;
	v46 =	vld [tilespmem:s15+$0xFFFFFF20];
	[tilespmem:v56+s17+$0x0] =	vst.idx.msk $0xffff, v52  }
0x14c: {  	v38 =	vmov s22;
	v51 =	vadd.s32 v8, v45;
	v47 =	vmov s21;
	s21 =	sadd.s32 $0x6, s18;
	v49 =	vld [tilespmem:s15+$0xFFFFFF70];
	[tilespmem:v58+s17+$0x0] =	vst.idx.msk $0xffff, v57  }
0x14d: {  	v45 =	vshll.u32 v50, v1;
	v39 =	vmov s21;
	s21 =	sadd.s32 $0x7, s18;
	s18 =	sadd.s32 $0x8, s18;
	v52 =	vadd.s32 v12, v55;
	v50 =	vld [tilespmem:s15+$0xFFFFFFB0];
	[tilespmem:v60+s17+$0x0] =	vst.idx.msk $0xffff, v59  }
0x14e: {  	_ =	sdelay $0x2  }
0x14f: {  	v53 =	vshrl.u32 v53, $0x3  }
0x150: {  	v55 =	vmov s21;
	v56 =	vld [tilespmem:s15+$0xFFFFFFF0];
	v35 =	vadd.s32 v16, v35;
	[tilespmem:v41+s17+$0x0] =	vst.idx.msk $0xffff, v40;
	v57 =	vshrl.u32 v54, $0x3  }
0x151: {  	v59 =	vld [tilespmem:s15+$0x30];
	v34 =	vadd.s32 v20, v34;
	v60 =	vshrl.u32 v44, $0x3;
	v58 =	vshrl.u32 v55, $0x3;
	[tilespmem:v43+s17+$0x0] =	vst.idx.msk $0xffff, v42  }
0x152: {  	v37 =	vadd.s32 v24, v37;
	v62 =	vshrl.u32 v47, $0x3;
	v61 =	vld [tilespmem:s15+$0x70];
	v41 =	vshll.u32 v58, v1;
	[tilespmem:v48+s17+$0x0] =	vst.idx.msk $0xffff, v46  }
0x153: {  	v36 =	vadd.s32 v28, v36;
	v45 =	vbroadcast v45, $0x0;
	v63 =	vld [tilespmem:s15+$0xB0];
	v41 =	vbroadcast v41, $0x0;
	[tilespmem:v51+s17+$0x0] =	vst.idx.msk $0xffff, v49  }
0x154: {  	v33 =	vadd.s32 v4, v33;
	s21 =	sadd.s32 $0x200, s15;
	v38 =	vshrl.u32 v38, $0x3;
	v55 =	vshll.u32 v53, v1;
	v48 =	vld [tilespmem:s15+$0xFFFFFF30];
	[tilespmem:v52+s17+$0x0] =	vst.idx.msk $0xffff, v50  }
0x155: {  	v40 =	vshll.u32 v57, v1;
	v47 =	vbroadcast v55, $0x0;
	v49 =	vld [tilespmem:s21+$0xC0];
	v50 =	vadd.s32 v29, v41;
	[tilespmem:v35+s17+$0x0] =	vst.idx.msk $0xffff, v56  }
0x156: {  	v42 =	vshll.u32 v60, v1;
	v40 =	vbroadcast v40, $0x0;
	v35 =	vld [tilespmem:s21+$0xFFFFFF00];
	v56 =	vadd.s32 v0, v45;
	[tilespmem:v34+s17+$0x0] =	vst.idx.msk $0xffff, v59  }
0x157: {  	v57 =	vld [tilespmem:s21+$0xFFFFFF40];
	v44 =	vshll.u32 v62, v1;
	v42 =	vbroadcast v42, $0x0;
	v58 =	vadd.s32 v5, v47;
	[tilespmem:v37+s17+$0x0] =	vst.idx.msk $0xffff, v61  }
0x158: {  	v38 =	vshll.u32 v38, v1;
	v44 =	vbroadcast v44, $0x0;
	v60 =	vadd.s32 v9, v40;
	v59 =	vld [tilespmem:s21+$0xFFFFFF80];
	[tilespmem:v36+s17+$0x0] =	vst.idx.msk $0xffff, v63  }
0x159: {  	v38 =	vbroadcast v38, $0x0;
	v62 =	vadd.s32 v13, v42;
	v61 =	vld [tilespmem:s21+$0xFFFFFFC0];
	[tilespmem:v33+s17+$0x0] =	vst.idx.msk $0xffff, v48  }
0x15a: {  	v39 =	vshrl.u32 v39, $0x3;
	v63 =	vadd.s32 v17, v44;
	v33 =	vld [tilespmem:s21+$0x0];
	[tilespmem:v50+s17+$0x0] =	vst.idx.msk $0xffff, v49  }
0x15b: {  	v39 =	vshll.u32 v39, v1;
	v34 =	vld [tilespmem:s21+$0x40];
	[tilespmem:v56+s17+$0x0] =	vst.idx.msk $0xffff, v35;
	v56 =	vadd.s32 v21, v38  }
0x15c: {  	[tilespmem:v58+s17+$0x0] =	vst.idx.msk $0xffff, v57;
	v35 =	vbroadcast v39, $0x0;
	v49 =	vadd.s32 v30, v41;
	v39 =	vld [tilespmem:s21+$0xD0]  }
0x15d: {  	[tilespmem:v60+s17+$0x0] =	vst.idx.msk $0xffff, v59;
	v59 =	vld [tilespmem:s21+$0xFFFFFF50];
	v60 =	vadd.s32 v6, v47  }
0x15e: {  	v57 =	vld [tilespmem:s21+$0x80];
	[tilespmem:v62+s17+$0x0] =	vst.idx.msk $0xffff, v61;
	v58 =	vadd.s32 v25, v35  }
0x15f: {  	v61 =	vld [tilespmem:s21+$0xFFFFFF90];
	v62 =	vadd.s32 v10, v40;
	[tilespmem:v63+s17+$0x0] =	vst.idx.msk $0xffff, v33  }
0x160: {  	v33 =	vld [tilespmem:s21+$0xFFFFFFD0];
	v63 =	vadd.s32 v14, v42;
	[tilespmem:v56+s17+$0x0] =	vst.idx.msk $0xffff, v34  }
0x161: {  	v56 =	vadd.s32 v18, v44;
	[tilespmem:v49+s17+$0x0] =	vst.idx.msk $0xffff, v39;
	v49 =	vld [tilespmem:s21+$0x10]  }
0x162: {  	[tilespmem:v60+s17+$0x0] =	vst.idx.msk $0xffff, v59;
	v39 =	vadd.s32 v31, v41;
	v34 =	vld [tilespmem:s21+$0xE0]  }
0x163: {  	[tilespmem:v58+s17+$0x0] =	vst.idx.msk $0xffff, v57;
	v57 =	vld [tilespmem:s21+$0x50];
	v58 =	vadd.s32 v22, v38  }
0x164: {  	[tilespmem:v62+s17+$0x0] =	vst.idx.msk $0xffff, v61;
	v61 =	vld [tilespmem:s21+$0xFFFFFF10];
	v62 =	vadd.s32 v2, v45  }
0x165: {  	v60 =	vadd.s32 v26, v35;
	v59 =	vld [tilespmem:s21+$0x90];
	[tilespmem:v63+s17+$0x0] =	vst.idx.msk $0xffff, v33  }
0x166: {  	v55 =	vadd.s32 v11, v40;
	v54 =	vadd.s32 v32, v41;
	v41 =	vld [tilespmem:s21+$0xFFFFFFA0];
	[tilespmem:v56+s17+$0x0] =	vst.idx.msk $0xffff, v49  }
0x167: {  	v53 =	vadd.s32 v7, v47;
	v63 =	vld [tilespmem:s21+$0xFFFFFF60];
	[tilespmem:v39+s17+$0x0] =	vst.idx.msk $0xffff, v34  }
0x168: {  	v56 =	vld [tilespmem:s21+$0xFFFFFFE0];
	[tilespmem:v58+s17+$0x0] =	vst.idx.msk $0xffff, v57;
	v57 =	vadd.s32 v15, v42  }
0x169: {  	[tilespmem:v62+s17+$0x0] =	vst.idx.msk $0xffff, v61;
	v34 =	vld [tilespmem:s21+$0xF0]  }
0x16a: {  	v58 =	vld [tilespmem:s21+$0x20];
	[tilespmem:v60+s17+$0x0] =	vst.idx.msk $0xffff, v59;
	v59 =	vadd.s32 v19, v44  }
0x16b: {  	v61 =	vadd.s32 v23, v38;
	[tilespmem:v55+s17+$0x0] =	vst.idx.msk $0xffff, v41;
	v60 =	vld [tilespmem:s21+$0x60]  }
0x16c: {  	[tilespmem:v53+s17+$0x0] =	vst.idx.msk $0xffff, v63;
	v63 =	vadd.s32 v27, v35;
	v62 =	vld [tilespmem:s21+$0xA0]  }
0x16d: {  	v47 =	vadd.s32 v8, v47;
	v55 =	vld [tilespmem:s21+$0xFFFFFF70];
	[tilespmem:v57+s17+$0x0] =	vst.idx.msk $0xffff, v56  }
0x16e: {  	v53 =	vld [tilespmem:s21+$0xFFFFFF20];
	[tilespmem:v54+s17+$0x0] =	vst.idx.msk $0xffff, v34;
	v54 =	vadd.s32 v3, v45  }
0x16f: {  	v40 =	vadd.s32 v12, v40;
	v56 =	vld [tilespmem:s21+$0xFFFFFFB0];
	[tilespmem:v59+s17+$0x0] =	vst.idx.msk $0xffff, v58  }
0x170: {  	v42 =	vadd.s32 v16, v42;
	v57 =	vld [tilespmem:s21+$0xFFFFFFF0];
	[tilespmem:v61+s17+$0x0] =	vst.idx.msk $0xffff, v60  }
0x171: {  	v59 =	vadd.s32 v20, v44;
	v58 =	vld [tilespmem:s21+$0x30];
	[tilespmem:v63+s17+$0x0] =	vst.idx.msk $0xffff, v62  }
0x172: {  	v38 =	vadd.s32 v24, v38;
	v60 =	vld [tilespmem:s21+$0x70];
	[tilespmem:v47+s17+$0x0] =	vst.idx.msk $0xffff, v55  }
0x173: {  	v35 =	vadd.s32 v28, v35;
	v61 =	vld [tilespmem:s21+$0xB0];
	[tilespmem:v54+s17+$0x0] =	vst.idx.msk $0xffff, v53  }
0x174: {  	v63 =	vadd.s32 v4, v45;
	[tilespmem:v40+s17+$0x0] =	vst.idx.msk $0xffff, v56;
	v62 =	vld [tilespmem:s21+$0xFFFFFF30]  }
0x175: {  	s14 =	sadd.s32 s6, s14;
	[tilespmem:v42+s17+$0x0] =	vst.idx.msk $0xffff, v57  }
0x176: {  	s22 =	sshll.u32 s14, $0x7;
	[tilespmem:v59+s17+$0x0] =	vst.idx.msk $0xffff, v58  }
0x177: {  	s14 =	sshll.u32 s14, $0xA;
	s15 =	sand.u32 $0xF80, s22;
	[tilespmem:v38+s17+$0x0] =	vst.idx.msk $0xffff, v60  }
0x178: {  	s18 =	sand.u32 $0x7FFF8000, s14;
	s23 =	sadd.s32 s2, s15;
	[tilespmem:v35+s17+$0x0] =	vst.idx.msk $0xffff, v61  }
0x179: {  	s18 =	sadd.s32 s18, s23;
	[tilespmem:v63+s17+$0x0] =	vst.idx.msk $0xffff, v62  }
0x17a: {  	[hbm4b:s18+s3] =	stream.linear.scatter [tilespmem:s17], [sflag:$0x4], $0x80, $0x38;
	[tilespmem:$0xE800] =	vst v63  }
0x17b: {  	s22 =	simm.s32 $0xC688;
	s21 =	sadd.s32 $0x10, s18  }
0x17c: {  	[hbm4b:s21+s3] =	stream.linear.scatter [tilespmem:s22], [sflag:$0x4], $0x80, $0x38;
	[tilespmem:$0xE800] =	vst v63  }
0x17d: {  	s23 =	simm.s32 $0xC710;
	s22 =	sadd.s32 $0x20, s18  }
0x17e: {  	[hbm4b:s22+s3] =	stream.linear.scatter [tilespmem:s23], [sflag:$0x4], $0x80, $0x38;
	[tilespmem:$0xE800] =	vst v63  }
0x17f: {  	s22 =	sadd.s32 $0x30, s18;
	s23 =	simm.s32 $0xC798  }
0x180: {  	[hbm4b:s22+s3] =	stream.linear.scatter [tilespmem:s23], [sflag:$0x4], $0x80, $0x38;
	[tilespmem:$0xE800] =	vst v63  }
0x181: {  	s22 =	sadd.s32 $0x40, s18;
	s23 =	simm.s32 $0xC820  }
0x182: {  	[hbm4b:s22+s3] =	stream.linear.scatter [tilespmem:s23], [sflag:$0x4], $0x80, $0x38;
	[tilespmem:$0xE800] =	vst v63  }
0x183: {  	s22 =	sadd.s32 $0x50, s18;
	s23 =	simm.s32 $0xC8A8  }
0x184: {  	[hbm4b:s22+s3] =	stream.linear.scatter [tilespmem:s23], [sflag:$0x4], $0x80, $0x38;
	[tilespmem:$0xE800] =	vst v63  }
0x185: {  	s14 =	sand.u32 $0x1FFF8000, s14;
	s22 =	sadd.s32 $0x60, s18;
	s23 =	simm.s32 $0xC930  }
0x186: {  	[hbm4b:s22+s3] =	stream.linear.scatter [tilespmem:s23], [sflag:$0x4], $0x80, $0x38;
	[tilespmem:$0xE800] =	vst v63  }
0x187: {  	s14 =	sor.u32 s15, s14;
	s18 =	sadd.s32 $0x70, s18;
	s23 =	simm.s32 $0xC9B8  }
0x188: {  	[hbm4b:s18+s3] =	stream.linear.scatter [tilespmem:s23], [sflag:$0x4], $0x80, $0x38;
	[tilespmem:$0xE800] =	vst v63  }
0x189: {  	s15 =	sadd.s32 s14, s7;
	s21 =	simm.s32 $0xCA40  }
0x18a: {  	[hbm4b:s15+s3] =	stream.linear.scatter [tilespmem:s21], [sflag:$0x4], $0x80, $0x38;
	[tilespmem:$0xE800] =	vst v63  }
0x18b: {  	s22 =	sadd.s32 $0x10, s15;
	s23 =	simm.s32 $0xCAC8  }
0x18c: {  	[hbm4b:s22+s3] =	stream.linear.scatter [tilespmem:s23], [sflag:$0x4], $0x80, $0x38;
	[tilespmem:$0xE800] =	vst v63  }
0x18d: {  	s22 =	sadd.s32 $0x20, s15;
	s23 =	simm.s32 $0xCB50  }
0x18e: {  	[hbm4b:s22+s3] =	stream.linear.scatter [tilespmem:s23], [sflag:$0x4], $0x80, $0x38;
	[tilespmem:$0xE800] =	vst v63  }
0x18f: {  	s22 =	sadd.s32 $0x30, s15;
	s23 =	simm.s32 $0xCBD8  }
0x190: {  	[hbm4b:s22+s3] =	stream.linear.scatter [tilespmem:s23], [sflag:$0x4], $0x80, $0x38;
	[tilespmem:$0xE800] =	vst v63  }
0x191: {  	s22 =	sadd.s32 $0x40, s15;
	s23 =	simm.s32 $0xCC60  }
0x192: {  	[hbm4b:s22+s3] =	stream.linear.scatter [tilespmem:s23], [sflag:$0x4], $0x80, $0x38;
	[tilespmem:$0xE800] =	vst v63  }
0x193: {  	s22 =	sadd.s32 $0x50, s15;
	s23 =	simm.s32 $0xCCE8  }
0x194: {  	[hbm4b:s22+s3] =	stream.linear.scatter [tilespmem:s23], [sflag:$0x4], $0x80, $0x38;
	[tilespmem:$0xE800] =	vst v63  }
0x195: {  	s21 =	sadd.s32 $0x60, s15;
	s22 =	simm.s32 $0xCD70  }
0x196: {  	[hbm4b:s21+s3] =	stream.linear.scatter [tilespmem:s22], [sflag:$0x4], $0x80, $0x38;
	[tilespmem:$0xE800] =	vst v63  }
0x197: {  	s15 =	sadd.s32 $0x70, s15;
	s23 =	simm.s32 $0xCDF8  }
0x198: {  	[hbm4b:s15+s3] =	stream.linear.scatter [tilespmem:s23], [sflag:$0x4], $0x80, $0x38;
	[tilespmem:$0xE800] =	vst v63  }
0x199: {  	s21 =	simm.s32 $0xCE80;
	s15 =	sadd.s32 s14, s8  }
0x19a: {  	[hbm4b:s15+s3] =	stream.linear.scatter [tilespmem:s21], [sflag:$0x4], $0x80, $0x38;
	[tilespmem:$0xE800] =	vst v63  }
0x19b: {  	s23 =	simm.s32 $0xCF08;
	s22 =	sadd.s32 $0x10, s15  }
0x19c: {  	[hbm4b:s22+s3] =	stream.linear.scatter [tilespmem:s23], [sflag:$0x4], $0x80, $0x38;
	[tilespmem:$0xE800] =	vst v63  }
0x19d: {  	s22 =	sadd.s32 $0x20, s15;
	s23 =	simm.s32 $0xCF90  }
0x19e: {  	[hbm4b:s22+s3] =	stream.linear.scatter [tilespmem:s23], [sflag:$0x4], $0x80, $0x38;
	[tilespmem:$0xE800] =	vst v63  }
0x19f: {  	s22 =	sadd.s32 $0x30, s15;
	s23 =	simm.s32 $0xD018  }
0x1a0: {  	[hbm4b:s22+s3] =	stream.linear.scatter [tilespmem:s23], [sflag:$0x4], $0x80, $0x38;
	[tilespmem:$0xE800] =	vst v63  }
0x1a1: {  	s22 =	sadd.s32 $0x40, s15;
	s23 =	simm.s32 $0xD0A0  }
0x1a2: {  	[hbm4b:s22+s3] =	stream.linear.scatter [tilespmem:s23], [sflag:$0x4], $0x80, $0x38;
	[tilespmem:$0xE800] =	vst v63  }
0x1a3: {  	s22 =	sadd.s32 $0x50, s15;
	s23 =	simm.s32 $0xD128  }
0x1a4: {  	[hbm4b:s22+s3] =	stream.linear.scatter [tilespmem:s23], [sflag:$0x4], $0x80, $0x38;
	[tilespmem:$0xE800] =	vst v63  }
0x1a5: {  	s21 =	sadd.s32 $0x60, s15;
	s22 =	simm.s32 $0xD1B0  }
0x1a6: {  	[hbm4b:s21+s3] =	stream.linear.scatter [tilespmem:s22], [sflag:$0x4], $0x80, $0x38;
	[tilespmem:$0xE800] =	vst v63  }
0x1a7: {  	s15 =	sadd.s32 $0x70, s15;
	s23 =	simm.s32 $0xD238  }
0x1a8: {  	[hbm4b:s15+s3] =	stream.linear.scatter [tilespmem:s23], [sflag:$0x4], $0x80, $0x38;
	[tilespmem:$0xE800] =	vst v63  }
0x1a9: {  	s21 =	simm.s32 $0xD2C0;
	s15 =	sadd.s32 s14, s9  }
0x1aa: {  	[hbm4b:s15+s3] =	stream.linear.scatter [tilespmem:s21], [sflag:$0x4], $0x80, $0x38;
	[tilespmem:$0xE800] =	vst v63  }
0x1ab: {  	s23 =	simm.s32 $0xD348;
	s22 =	sadd.s32 $0x10, s15  }
0x1ac: {  	[hbm4b:s22+s3] =	stream.linear.scatter [tilespmem:s23], [sflag:$0x4], $0x80, $0x38;
	[tilespmem:$0xE800] =	vst v63  }
0x1ad: {  	s22 =	sadd.s32 $0x20, s15;
	s23 =	simm.s32 $0xD3D0  }
0x1ae: {  	[hbm4b:s22+s3] =	stream.linear.scatter [tilespmem:s23], [sflag:$0x4], $0x80, $0x38;
	[tilespmem:$0xE800] =	vst v63  }
0x1af: {  	s22 =	sadd.s32 $0x30, s15;
	s23 =	simm.s32 $0xD458  }
0x1b0: {  	[hbm4b:s22+s3] =	stream.linear.scatter [tilespmem:s23], [sflag:$0x4], $0x80, $0x38;
	[tilespmem:$0xE800] =	vst v63  }
0x1b1: {  	s22 =	sadd.s32 $0x40, s15;
	s23 =	simm.s32 $0xD4E0  }
0x1b2: {  	[hbm4b:s22+s3] =	stream.linear.scatter [tilespmem:s23], [sflag:$0x4], $0x80, $0x38;
	[tilespmem:$0xE800] =	vst v63  }
0x1b3: {  	s22 =	sadd.s32 $0x50, s15;
	s23 =	simm.s32 $0xD568  }
0x1b4: {  	[hbm4b:s22+s3] =	stream.linear.scatter [tilespmem:s23], [sflag:$0x4], $0x80, $0x38;
	[tilespmem:$0xE800] =	vst v63  }
0x1b5: {  	s21 =	sadd.s32 $0x60, s15;
	s22 =	simm.s32 $0xD5F0  }
0x1b6: {  	[hbm4b:s21+s3] =	stream.linear.scatter [tilespmem:s22], [sflag:$0x4], $0x80, $0x38;
	[tilespmem:$0xE800] =	vst v63  }
0x1b7: {  	s15 =	sadd.s32 $0x70, s15;
	s23 =	simm.s32 $0xD678  }
0x1b8: {  	[hbm4b:s15+s3] =	stream.linear.scatter [tilespmem:s23], [sflag:$0x4], $0x80, $0x38;
	[tilespmem:$0xE800] =	vst v63  }
0x1b9: {  	s21 =	simm.s32 $0xD700;
	s15 =	sadd.s32 s14, s10  }
0x1ba: {  	[hbm4b:s15+s3] =	stream.linear.scatter [tilespmem:s21], [sflag:$0x4], $0x80, $0x38;
	[tilespmem:$0xE800] =	vst v63  }
0x1bb: {  	s23 =	simm.s32 $0xD788;
	s22 =	sadd.s32 $0x10, s15  }
0x1bc: {  	[hbm4b:s22+s3] =	stream.linear.scatter [tilespmem:s23], [sflag:$0x4], $0x80, $0x38;
	[tilespmem:$0xE800] =	vst v63  }
0x1bd: {  	s22 =	sadd.s32 $0x20, s15;
	s23 =	simm.s32 $0xD810  }
0x1be: {  	[hbm4b:s22+s3] =	stream.linear.scatter [tilespmem:s23], [sflag:$0x4], $0x80, $0x38;
	[tilespmem:$0xE800] =	vst v63  }
0x1bf: {  	s22 =	sadd.s32 $0x30, s15;
	s23 =	simm.s32 $0xD898  }
0x1c0: {  	[hbm4b:s22+s3] =	stream.linear.scatter [tilespmem:s23], [sflag:$0x4], $0x80, $0x38;
	[tilespmem:$0xE800] =	vst v63  }
0x1c1: {  	s22 =	sadd.s32 $0x40, s15;
	s23 =	simm.s32 $0xD920  }
0x1c2: {  	[hbm4b:s22+s3] =	stream.linear.scatter [tilespmem:s23], [sflag:$0x4], $0x80, $0x38;
	[tilespmem:$0xE800] =	vst v63  }
0x1c3: {  	s22 =	sadd.s32 $0x50, s15;
	s23 =	simm.s32 $0xD9A8  }
0x1c4: {  	[hbm4b:s22+s3] =	stream.linear.scatter [tilespmem:s23], [sflag:$0x4], $0x80, $0x38;
	[tilespmem:$0xE800] =	vst v63  }
0x1c5: {  	s21 =	sadd.s32 $0x60, s15;
	s22 =	simm.s32 $0xDA30  }
0x1c6: {  	[hbm4b:s21+s3] =	stream.linear.scatter [tilespmem:s22], [sflag:$0x4], $0x80, $0x38;
	[tilespmem:$0xE800] =	vst v63  }
0x1c7: {  	s15 =	sadd.s32 $0x70, s15;
	s23 =	simm.s32 $0xDAB8  }
0x1c8: {  	[hbm4b:s15+s3] =	stream.linear.scatter [tilespmem:s23], [sflag:$0x4], $0x80, $0x38;
	[tilespmem:$0xE800] =	vst v63  }
0x1c9: {  	s21 =	simm.s32 $0xDB40;
	s15 =	sadd.s32 s14, s11  }
0x1ca: {  	[hbm4b:s15+s3] =	stream.linear.scatter [tilespmem:s21], [sflag:$0x4], $0x80, $0x38;
	[tilespmem:$0xE800] =	vst v63  }
0x1cb: {  	s23 =	simm.s32 $0xDBC8;
	s22 =	sadd.s32 $0x10, s15  }
0x1cc: {  	[hbm4b:s22+s3] =	stream.linear.scatter [tilespmem:s23], [sflag:$0x4], $0x80, $0x38;
	[tilespmem:$0xE800] =	vst v63  }
0x1cd: {  	s22 =	sadd.s32 $0x20, s15;
	s23 =	simm.s32 $0xDC50  }
0x1ce: {  	[hbm4b:s22+s3] =	stream.linear.scatter [tilespmem:s23], [sflag:$0x4], $0x80, $0x38;
	[tilespmem:$0xE800] =	vst v63  }
0x1cf: {  	s22 =	sadd.s32 $0x30, s15;
	s23 =	simm.s32 $0xDCD8  }
0x1d0: {  	[hbm4b:s22+s3] =	stream.linear.scatter [tilespmem:s23], [sflag:$0x4], $0x80, $0x38;
	[tilespmem:$0xE800] =	vst v63  }
0x1d1: {  	s22 =	sadd.s32 $0x40, s15;
	s23 =	simm.s32 $0xDD60  }
0x1d2: {  	[hbm4b:s22+s3] =	stream.linear.scatter [tilespmem:s23], [sflag:$0x4], $0x80, $0x38;
	[tilespmem:$0xE800] =	vst v63  }
0x1d3: {  	s22 =	sadd.s32 $0x50, s15;
	s23 =	simm.s32 $0xDDE8  }
0x1d4: {  	[hbm4b:s22+s3] =	stream.linear.scatter [tilespmem:s23], [sflag:$0x4], $0x80, $0x38;
	[tilespmem:$0xE800] =	vst v63  }
0x1d5: {  	s21 =	sadd.s32 $0x60, s15;
	s22 =	simm.s32 $0xDE70  }
0x1d6: {  	[hbm4b:s21+s3] =	stream.linear.scatter [tilespmem:s22], [sflag:$0x4], $0x80, $0x38;
	[tilespmem:$0xE800] =	vst v63  }
0x1d7: {  	s15 =	sadd.s32 $0x70, s15;
	s23 =	simm.s32 $0xDEF8  }
0x1d8: {  	[hbm4b:s15+s3] =	stream.linear.scatter [tilespmem:s23], [sflag:$0x4], $0x80, $0x38;
	[tilespmem:$0xE800] =	vst v63  }
0x1d9: {  	s21 =	simm.s32 $0xDF80;
	s15 =	sadd.s32 s14, s12  }
0x1da: {  	[hbm4b:s15+s3] =	stream.linear.scatter [tilespmem:s21], [sflag:$0x4], $0x80, $0x38;
	[tilespmem:$0xE800] =	vst v63  }
0x1db: {  	s23 =	simm.s32 $0xE008;
	s22 =	sadd.s32 $0x10, s15  }
0x1dc: {  	[hbm4b:s22+s3] =	stream.linear.scatter [tilespmem:s23], [sflag:$0x4], $0x80, $0x38;
	[tilespmem:$0xE800] =	vst v63  }
0x1dd: {  	s22 =	sadd.s32 $0x20, s15;
	s23 =	simm.s32 $0xE090  }
0x1de: {  	[hbm4b:s22+s3] =	stream.linear.scatter [tilespmem:s23], [sflag:$0x4], $0x80, $0x38;
	[tilespmem:$0xE800] =	vst v63  }
0x1df: {  	s22 =	sadd.s32 $0x30, s15;
	s23 =	simm.s32 $0xE118  }
0x1e0: {  	[hbm4b:s22+s3] =	stream.linear.scatter [tilespmem:s23], [sflag:$0x4], $0x80, $0x38;
	[tilespmem:$0xE800] =	vst v63  }
0x1e1: {  	s22 =	sadd.s32 $0x40, s15;
	s23 =	simm.s32 $0xE1A0  }
0x1e2: {  	[hbm4b:s22+s3] =	stream.linear.scatter [tilespmem:s23], [sflag:$0x4], $0x80, $0x38;
	[tilespmem:$0xE800] =	vst v63  }
0x1e3: {  	s22 =	sadd.s32 $0x50, s15;
	s23 =	simm.s32 $0xE228  }
0x1e4: {  	[hbm4b:s22+s3] =	stream.linear.scatter [tilespmem:s23], [sflag:$0x4], $0x80, $0x38;
	[tilespmem:$0xE800] =	vst v63  }
0x1e5: {  	s22 =	sadd.s32 $0x60, s15;
	s23 =	simm.s32 $0xE2B0  }
0x1e6: {  	[hbm4b:s22+s3] =	stream.linear.scatter [tilespmem:s23], [sflag:$0x4], $0x80, $0x38;
	[tilespmem:$0xE800] =	vst v63  }
0x1e7: {  	s21 =	simm.s32 $0xE338;
	s15 =	sadd.s32 $0x70, s15  }
0x1e8: {  	[hbm4b:s15+s3] =	stream.linear.scatter [tilespmem:s21], [sflag:$0x4], $0x80, $0x38;
	[tilespmem:$0xE800] =	vst v63  }
0x1e9: {  	s14 =	sadd.s32 s14, s13  }
0x1ea: {  	[hbm4b:s14+s3] =	stream.linear.scatter [tilespmem:s24], [sflag:$0x4], $0x80, $0x38;
	[tilespmem:$0xE800] =	vst v63  }
0x1eb: {  	s22 =	sadd.s32 $0x10, s14  }
0x1ec: {  	[hbm4b:s22+s3] =	stream.linear.scatter [tilespmem:s25], [sflag:$0x4], $0x80, $0x38;
	[tilespmem:$0xE800] =	vst v63  }
0x1ed: {  	s23 =	sadd.s32 $0x20, s14  }
0x1ee: {  	[hbm4b:s23+s3] =	stream.linear.scatter [tilespmem:s16], [sflag:$0x4], $0x80, $0x38;
	[tilespmem:$0xE800] =	vst v63  }
0x1ef: {  	s18 =	sadd.s32 $0x30, s14  }
0x1f0: {  	[hbm4b:s18+s3] =	stream.linear.scatter [tilespmem:s26], [sflag:$0x4], $0x80, $0x38;
	[tilespmem:$0xE800] =	vst v63  }
0x1f1: {  	s5 =	sadd.s32 $0x1, s5;
	s21 =	sadd.s32 $0x40, s14  }
0x1f2: {  	[hbm4b:s21+s3] =	stream.linear.scatter [tilespmem:s28], [sflag:$0x4], $0x80, $0x38;
	[tilespmem:$0xE800] =	vst v63  }
0x1f3: {  	p0 =	sne.s32 s5, $0x64;
	s22 =	sadd.s32 $0x50, s14  }
0x1f4: {  	[hbm4b:s22+s3] =	stream.linear.scatter [tilespmem:s29], [sflag:$0x4], $0x80, $0x38;
	[tilespmem:$0xE800] =	vst v63  }
.Ltmp2:
0x1f5: {  	_ = 	snop;
	(pc) =	sbr.rel @p0 .LBB2_2-.Ltmp2, $4  }
0x1f6: {  	s23 =	sadd.s32 $0x60, s14  }
0x1f7: {  	[hbm4b:s23+s3] =	stream.linear.scatter [tilespmem:s30], [sflag:$0x4], $0x80, $0x38;
	[tilespmem:$0xE800] =	vst v63  }
0x1f8: {  	s14 =	sadd.s32 $0x70, s14  }
0x1f9: {  	[hbm4b:s14+s3] =	stream.linear.scatter [tilespmem:s31], [sflag:$0x4], $0x80, $0x38;
	[tilespmem:$0xE800] =	vst v63  }
0x1fa: {  	s5 =	simm.s32 $0x3  }
0x1fb: {  	_ =	swait.ge [sflag:s5], $0x2000  }
0x1fc: {  	[sflag:s5] =	ssyncset.done $0x0  }
0x1fd: {  	[sflag:s5] =	ssyncadd.s32 $0xFFFFE000  }
0x1fe: {  	_ =	swait.ge [sflag:s1], $0x2000  }
0x1ff: {  	s14 =	rddreg [dreg:$0x5]  }
0x200: {  	s23 =	rddreg [dreg:$0x4];
	s14 =	sadd.s32 $0x1, s14  }
0x201: {  	p0 =	sne.s32 s14, s23  }
.Ltmp3:
0x202: {  	_ = 	snop;
	(pc) =	sbr.rel @p0 .LBB2_1-.Ltmp3, $3  }
0x203: {  	_ =	sdelay $0x1  }
0x204: {  	[sflag:s1] =	ssyncset.done $0x0  }
0x205: {  	[sflag:s1] =	ssyncadd.s32 $0xFFFFE000  }
0x206: {  	_ =	sfence.sel $0x180000  }
0x207: {  	[bflag:$0x0] =	sbarrier.arrive $0xFFFF  }
0x208: {  	_ =	strace $0x9000004A  }
0x209: {  	s0 =	stileid.u32;
	[bflag:$0x2] =	sbarrier.arrive $0xFFFF  }
0x20a: {  	p0 =	sne.s32 s0, $0x0;
	s0 =	rddreg [dreg:$0x2]  }
0x20b: {  	s0 =	sadd.s32 @!p0 $0x100000, s0  }
0x20c: {  	[sflag:s0] =	ssyncadd.tile.s32 @!p0 $0x1;
	_ =	shalt  }
.Lfunc_end2:
_tile_overlayer_lowered:
.L_overlay_start_2:
0x20d: {  	(tag) =	ssettag $0x2  }
0x20e: {  	s0 =	rddreg [dreg:$0x0];
	s2 =	stileid.u32  }
0x20f: {  	s1 =	rddreg [dreg:$0x1];
	p0 =	sne.s32 s2, $0x0  }
0x210: {  	s3 =	rddreg [dreg:$0x2];
	[bflag:$0x3] =	sbarrier.arrive $0xFFFF;
	s2 =	simm.s32 @!p0 $0x1C05  }
0x211: {  	[timem:s3], [sflag:s2] =	dma.local @!p0 [hbm:s0], s1  }
0x212: {  	s0 =	simm.s32 @!p0 $0x5  }
0x213: {  	_ =	swait.ge @!p0 [sflag:s0], s1  }
0x214: {  	s1 =	ssub.s32 @!p0 $0x0, s1;
	[sflag:s0] =	ssyncset.done @!p0 $0x0  }
0x215: {  	[sflag:s0] =	ssyncadd.s32 @!p0 s1  }
0x216: {  	[bflag:$0x3] =	sbarrier.arrive $0xFFFF  }
0x217: {  	_ =	shalt  }

// kernel: sparse-core-data-format-call.cloned.1.call-start
scs
called_computation_lowered:
.L_overlay_start_0:
0x0: {  	s2 =	sld [smem:$0x3FD9]  }
0x1: {  	s3 =	sld [smem:$0x3FFE];
	_ =	sdelay $0x1  }
0x2: {  	s1 =	srdreg.scid  }
0x3: {  	s0 =	sand.u32 $0x1, s1  }
0x4: {  	s18 =	sshll.u32 s0, $0xA;
	s2 =	sadd.s32 s3, s2  }
0x5: {  	s2 =	sadd.s32 s2, s18  }
0x6: {  	[smem:$0x3FC6] =	sst s2  }
0x7: {  	_ = 	snop  }
0x8: {  	s2 =	sld [smem:$0x3FC8];
	(tm) =	ssettm $0x1  }
0x9: {  	s19 =	sld [smem:$0x3FFB];
	_ =	sdelay $0x3  }
0xa: {  	_ =	strace s19  }
0xb: {  	s3 =	sld [smem:$0x3FFC];
	_ =	sdelay $0x3  }
0xc: {  	_ =	strace s3  }
0xd: {  	s3 =	sld [smem:$0x3FFD];
	_ =	sdelay $0x3  }
0xe: {  	_ =	strace s3  }
0xf: {  	_ =	strace $0x8FFFFFFF  }
0x10: {  	s20 =	sld [smem:$0x3FDB];
	_ =	sdelay $0x1  }
0x11: {  	s4 =	simm.s32 $_scs_section_size  }
0x12: {  	s5 =	simm.s32 $_size__tile_overlayer_lowered;
	s6 =	simm.s32 $_tile_overlayer_lowered  }
0x13: {  	s23 =	simm.s32 $0x1BFF;
	s22 =	sshll.u32 s6, $0x1;
	s3 =	sadd.s32 s4, s20  }
0x14: {  	s7 =	simm.s32 $0x0;
	s21 =	sshll.u32 s5, $0x1;
	s5 =	sadd.s32 s22, s3  }
0x15: {  	[timem:s7], [sflag:s23] =	dma.local [hbm:s5], s21  }
0x16: {  	_ =	swait.ge [sflag:s23], s21  }
0x17: {  	s4 =	ssub.s32 $0x0, s21;
	[sflag:s23] =	ssyncset.done $0x0  }
0x18: {  	[sflag:s23] =	ssyncadd.s32 s4;
	_ =	sdelay $0x1  }
0x19: {  	s24 =	simm.s32 $0x1B8B  }
0x1a: {  	_ =	swait.ge [sflag:s24], $0x1  }
0x1b: {  	[sflag:s24] =	ssyncset.done $0x0  }
0x1c: {  	s26 =	simm.s32 $0x1B8E;
	s25 =	sld [smem:$0x3FFE];
	[sflag:s24] =	ssyncadd.s32 $0xFFFFFFFF  }
0x1d: {  	s27 =	simm.s32 $execute0_lowered;
	[smem:$0x3FD2] =	sst s26  }
0x1e: {  	s5 =	sshll.u32 s27, $0x1;
	_ =	strace $0x80000046;
	[dreg:$0x1] =	wrdreg $0xFFFFFFFF  }
0x1f: {  	s28 =	simm.s32 $_size_execute0_lowered;
	s3 =	sadd.s32 s3, s5;
	[dreg:$0x0] =	wrdreg $0x0  }
0x20: {  	s5 =	sshll.u32 s28, $0x1;
	[dreg:$0x2] =	wrdreg s3  }
0x21: {  	[dreg:$0x3] =	wrdreg s5  }
0x22: {  	[dreg:$0x4] =	wrdreg $0xC0  }
0x23: {  	_ =	task [dreg:s7], $0x5FFFF  }
0x24: {  	[dreg:$0x1] =	wrdreg $0xFFFFFFFF  }
0x25: {  	[dreg:$0x0] =	wrdreg $0x60  }
0x26: {  	[dreg:$0x2] =	wrdreg s2  }
0x27: {  	[dreg:$0x3] =	wrdreg s25  }
0x28: {  	[dreg:$0x4] =	wrdreg $0x9  }
0x29: {  	_ =	task.clear_ibuf [dreg:s7], $0x5FFFF;
	_ =	strace $0x90000046  }
0x2a: {  	s29 =	simm.s32 $0x9;
	_ =	strace $0x80000048  }
0x2b: {  	_ =	swait.ge [sflag:s29], $0x1  }
0x2c: {  	[sflag:s29] =	ssyncadd.s32 $0xFFFFFFFF  }
0x2d: {  	_ =	strace $0x90000048  }
0x2e: {  	_ =	sfence  }
0x2f: {  	s30 =	sld [smem:$0x0];
	_ =	sdelay $0x2  }
0x30: {  	s31 =	sshll.u32 s1, $0xD;
	s1 =	sshrl.u32 s1, $0x2  }
0x31: {  	s3 =	sand.u32 $0x4000, s31;
	s1 =	sadd.s32 s1, s30  }
0x32: {  	s0 =	sor.u32 s3, s0;
	s1 =	sshll.u32 s1, $0x11  }
0x33: {  	s0 =	sor.u32 s1, s0  }
0x34: {  	s0 =	sadd.s32 $0x8F2B, s0  }
0x35: {  	[sflag:s0] =	ssyncadd.remote.s32 $0x1  }
0x36: {  	_ =	sfence.sel $0xFFFF  }
0x37: {  	[dreg:$0x0] =	wrdreg $0xFFFFFFFF;
	(pc) =	sbr.abs _section_cstart, $3  }
0x38: {  	[dreg:$0x1] =	wrdreg $0xFFFFFFFF  }
0x39: {  	_ =	task.clear_ibuf [dreg:s7], $0x2FFFF;
	_ =	strace $0x9FFFFFFF  }
0x3a: {  	(tm) =	ssettm $0x7FFFFFFF  }
0x3b: {  	_ =	shalt  }
tec
execute0_lowered:
.L_overlay_start_1:
0x0: {  	(tag) =	ssettag $0x1  }
0x1: {  	s0 =	srdreg.scid;
	s2 =	rddreg [dreg:$0x0]  }
0x2: {  	s5 =	rddreg [dreg:$0x1];
	s1 =	stileid.u32  }
0x3: {  	s4 =	simm.s32 $0x1;
	s6 =	simm.s32 $0x2;
	s15 =	simm.s32 $0x0  }
0x4: {  	p0 =	por $0x0, $0x0;
	s8 =	simm.s32 $0x80;
	s0 =	sshll.u32 s0, $0x4  }
0x5: {  	s14 =	simm.s32 $0x0;
	s9 =	simm.s32 $0x0;
	s3 =	sand.u32 $0x10, s0  }
.Ltmp0:
0x6: {  	s10 =	simm.s32 $0x0;
	s3 =	sor.u32 s1, s3;
	(pc) =	sbr.rel .LBB1_1-.Ltmp0, $4  }
0x7: {  	s0 =	rddreg [dreg:$0x2];
	_ =	strace $0x80000047;
	s3 =	sshll.u32 s3, $0x7  }
0x8: {  	s12 =	simm.s32 $0x0;
	[sflag:s4] =	ssyncpa.u1 $0x0;
	s7 =	ssub.s32 $0xF4200, s3  }
0x9: {  	s13 =	simm.s32 $0x0;
	[sflag:s6] =	ssyncpa.u1 $0x0;
	s6 =	sshrl.u32 s7, $0xC  }
0xa: {  	s5 =	sadd.s32 $0xA00, s5;
	s11 =	smov.u32 s3;
	s7 =	sadd.s32 $0x2, s6  }
.LBB1_5:
0xb: {  	p1 =	slt.u32 s13, $0x2  }
0xc: {  	s17 =	smov.u32 s15;
	p2 =	sgt.s32 @!p1 s15, $0xF41C0;
	s16 =	sshra.s32 @!p1 s15, $0x1F  }
0xd: {  	p3 =	sgt.s32 @!p1 s14, $0x40;
	s18 =	sshra.s32 @!p1 s14, $0x1F;
	p2 =	por !p2, p1  }
0xe: {  	s15 =	sand.u32 @!p1 s16, s15;
	p3 =	por !p3, p1;
	s16 =	smov.u32 s14  }
0xf: {  	s14 =	sand.u32 @!p1 s18, s14;
	s17 =	simm.s32 @p2 $0xF41C0;
	s16 =	simm.s32 @p3 $0x40  }
0x10: {  	s15 =	ssub.s32 @!p1 s17, s15;
	s14 =	ssub.s32 @!p1 s16, s14  }
0x11: {  	s18 =	smov.u32 s12;
	s16 =	sadd.s32 @!p1 $0xFFF0BE40, s15;
	s17 =	sadd.s32 @!p1 $0xFFFFFFC0, s14  }
0x12: {  	s15 =	ssub.s32 @!p1 $0xF4240, s15;
	p2 =	sgt.s32 @!p1 s16, $0x7F;
	p3 =	sgt.s32 @!p1 s17, $0x3F  }
0x13: {  	s14 =	ssub.s32 @!p1 $0x80, s14;
	p2 =	por !p2, p1;
	p3 =	por !p3, p1  }
0x14: {  	s16 =	sadd.s32 $0x1000, s11;
	s15 =	simm.s32 @!p2 $0x0;
	s14 =	simm.s32 @!p3 $0x0  }
0x15: {  	p2 =	sgt.s32 s16, $0xF423F;
	s14 =	smul.u32 @!p1 s14, s15;
	s15 =	sadd.s32 $0x40, s12  }
0x16: {  	s18 =	smov.u32 @p2 s15  }
0x17: {  	s16 =	smov.u32 @p2 s3;
	p2 =	sgt.s32 s18, $0x3F  }
0x18: {  	s18 =	simm.s32 @p2 $0x0;
	p2 =	sne.s32 s13, s7  }
.Ltmp1:
0x19: {  	p0 =	por !p0, !p0;
	s17 =	simm.s32 @!p1 $0x2;
	(pc) =	sbr.rel @!p2 .LBB1_6-.Ltmp1, $4  }
0x1a: {  	s15 =	smov.u32 s9;
	s9 =	smov.u32 s11;
	s14 =	sand.u32 @!p1 $0x3FFFFFFF, s14  }
0x1b: {  	s11 =	smov.u32 s16;
	_ =	swait.ge @!p1 [sflag:s17], s14;
	s19 =	ssub.s32 @!p1 $0x0, s14  }
0x1c: {  	s14 =	smov.u32 s10;
	s13 =	sadd.s32 $0x1, s13;
	[sflag:s17] =	ssyncset.done @!p1 $0x0  }
0x1d: {  	s10 =	smov.u32 s12;
	s12 =	smov.u32 s18;
	[sflag:s17] =	ssyncadd.s32 @!p1 s19  }
.LBB1_1:
0x1e: {  	p1 =	sgt.u32 s13, s6  }
0x1f: {  	s16 =	sshrl.u32 @!p1 s12, $0x3  }
0x20: {  	s17 =	sshll.u32 @!p1 s11, $0x3;
	s16 =	smul.u32 @!p1 $0x7A1400, s16  }
0x21: {  	s18 =	sshll.u32 @!p1 s12, $0x7;
	s17 =	sand.u32 @!p1 $0xFFFFFC00, s17  }
0x22: {  	s16 =	sadd.s32 @!p1 s16, s17;
	s17 =	sand.u32 @!p1 $0x380, s18  }
0x23: {  	s18 =	sand.u32 @!p1 $0x7F, s11;
	s16 =	sor.u32 @!p1 s17, s16  }
0x24: {  	s17 =	sor.u32 @!p1 s18, s16  }
0x25: {  	s18 =	smulhi.u32 @!p1 $0x218D6287, s17;
	_ =	sdelay $0x1  }
0x26: {  	s16 =	smulhi.u32 @!p1 $0x218D6287, s16;
	s18 =	sshrl.u32 @!p1 s18, $0x11  }
0x27: {  	s18 =	smul.u32 @!p1 $0xF4280, s18  }
0x28: {  	s19 =	sxor.u32 @!p1 $0xFFFFFFFF, s13;
	s16 =	sshrl.u32 @!p1 s16, $0x11  }
0x29: {  	s19 =	sshll.u32 @!p1 s19, $0xD;
	s16 =	sand.u32 @!p1 $0x3F, s16;
	s17 =	ssub.s32 @!p1 s17, s18  }
0x2a: {  	s16 =	smul.u32 @!p1 $0x1E850, s16;
	s18 =	sshrl.u32 @!p1 s17, $0x3;
	s17 =	sand.u32 @!p1 $0x7, s17  }
0x2b: {  	s19 =	sand.u32 @!p1 $0x2000, s19;
	s18 =	sadd.s32 @!p1 s2, s18;
	s17 =	sshll.u32 @!p1 s17, $0x12  }
0x2c: {  	s16 =	sadd.s32 @!p1 s16, s18;
	s17 =	sor.u32 @!p1 $0x400, s17;
	s18 =	simm.s32 @!p1 $0x7A1400  }
0x2d: {  	[tilespmem:s19], [sflag:$0x1] =	stream.strided.gather @!p1 [hbm4b:s16+s17], $0x2000, s18, s17, $0x38;
	[tilespmem:$0x8100] =	vst v63  }
0x2e: {  	p1 =	seq.s32 s13, $0x0  }
0x2f: {  	p2 =	sge.u32 @!p1 s13, s7  }
0x30: {  	p1 =	por p1, p2  }
.Ltmp2:
0x31: {  	_ = 	snop;
	(pc) =	sbr.rel @p1 .LBB1_5-.Ltmp2, $1  }
0x32: {  	_ =	sdelay $0x3  }
0x33: {  	s16 =	simm.s32 $0x1  }
0x34: {  	_ =	swait.ge [sflag:s4], $0x2000;
	s16 =	simm.s32 @!p0 $0x0  }
0x35: {  	[sflag:s4] =	ssyncset.done $0x0;
	s17 =	sshll.u32 s16, $0xD  }
0x36: {  	[sflag:s4] =	ssyncadd.s32 $0xFFFFE000;
	s17 =	sor.u32 $0x40, s17  }
0x37: {  	s16 =	smul.u32 $0x8200, s16;
	v0 =	vld [tilespmem:s17+$0x30]  }
0x38: {  	v1 =	vld [tilespmem:s17+$0xFFFFFFD0]  }
0x39: {  	s16 =	sshrl.u32 s16, $0x2;
	v5 =	vld [tilespmem:s17+$0xFFFFFFE0]  }
0x3a: {  	v6 =	vld [tilespmem:s17+$0xFFFFFFF0];
	s19 =	sor.u32 $0x4000, s16  }
0x3b: {  	s31 =	sand.u32 $0x1, s13;
	v4 =	vld [tilespmem:s17+$0x0];
	s18 =	sadd.s32 $0x0, s19  }
0x3c: {  	v3 =	vld [tilespmem:s17+$0x10];
	s16 =	smul.u32 $0x8200, s31;
	[tilespmem:s18+$0x1C70 ss:$0x41] =	vst.msk $0xffff, v0  }
0x3d: {  	v2 =	vld [tilespmem:s17+$0x20];
	[tilespmem:s18+$0x410 ss:$0x41] =	vst.msk $0xffff, v1  }
0x3e: {  	s16 =	sshrl.u32 s16, $0x2;
	v1 =	vld [tilespmem:s17+$0xFFFFFFC0];
	[tilespmem:s18+$0x820 ss:$0x41] =	vst.msk $0xffff, v5;
	s17 =	sadd.s32 $0x80, s17  }
0x3f: {  	s20 =	simm.s32 $0x4;
	s21 =	simm.s32 $0x8;
	s16 =	sor.u32 $0x4000, s16;
	[tilespmem:s18+$0xC30 ss:$0x41] =	vst.msk $0xffff, v6;
	v0 =	vld [tilespmem:s17+$0x30]  }
.LBB1_3:
0x40: {  	p1 =	sne.s32 s21, $0xFC;
	v5 =	vld [tilespmem:s17+$0xFFFFFFD0];
	[tilespmem:s18+$0x1040 ss:$0x41] =	vst.msk $0xffff, v4  }
0x41: {  	v6 =	vld [tilespmem:s17+$0xFFFFFFE0];
	[tilespmem:s18+$0x1450 ss:$0x41] =	vst.msk $0xffff, v3  }
0x42: {  	s22 =	sshra.s32 s20, $0x2;
	s20 =	smov.u32 s21;
	v7 =	vld [tilespmem:s17+$0xFFFFFFF0];
	[tilespmem:s18+$0x1860 ss:$0x41] =	vst.msk $0xffff, v2  }
.Ltmp3:
0x43: {  	v4 =	vld [tilespmem:s17+$0x0];
	[tilespmem:s18+$0x0 ss:$0x41] =	vst.msk $0xffff, v1;
	s18 =	sadd.s32 s22, s19;
	(pc) =	sbr.rel @p1 .LBB1_3-.Ltmp3, $4  }
0x44: {  	v3 =	vld [tilespmem:s17+$0x10];
	[tilespmem:s18+$0x1C70 ss:$0x41] =	vst.msk $0xffff, v0  }
0x45: {  	[tilespmem:s18+$0x410 ss:$0x41] =	vst.msk $0xffff, v5;
	v2 =	vld [tilespmem:s17+$0x20]  }
0x46: {  	v1 =	vld [tilespmem:s17+$0xFFFFFFC0];
	[tilespmem:s18+$0x820 ss:$0x41] =	vst.msk $0xffff, v6;
	s17 =	sadd.s32 $0x80, s17  }
0x47: {  	s21 =	sadd.s32 $0x4, s21;
	v0 =	vld [tilespmem:s17+$0x30];
	[tilespmem:s18+$0xC30 ss:$0x41] =	vst.msk $0xffff, v7  }
0x48: {  	s21 =	sshll.u32 s9, $0x7;
	s22 =	sshll.u32 s10, $0x3;
	s20 =	sshra.s32 s20, $0x2  }
0x49: {  	p1 =	sgt.s32 s9, $0xF41C0;
	s30 =	sshra.s32 s9, $0x1F;
	s25 =	sshra.s32 s10, $0x1F  }
0x4a: {  	v5 =	vld [tilespmem:s17+$0xFFFFFFD0];
	s28 =	sshrl.u32 s10, $0x3;
	s23 =	sand.u32 $0xFFFFFC00, s21;
	s22 =	sand.u32 $0xFFFFFC00, s22  }
0x4b: {  	[tilespmem:s18+$0x1040 ss:$0x41] =	vst.msk $0xffff, v4;
	v58 =	vld [tilespmem:s17+$0xFFFFFFE0];
	s21 =	sand.u32 $0x380, s21;
	s19 =	sadd.s32 s20, s19;
	s22 =	sadd.s32 s22, s23  }
0x4c: {  	v59 =	vld [tilespmem:s17+$0xFFFFFFF0];
	[tilespmem:s18+$0x1450 ss:$0x41] =	vst.msk $0xffff, v3;
	s29 =	sor.u32 s21, s22;
	s21 =	smov.u32 s9;
	s22 =	sand.u32 s30, s9  }
0x4d: {  	v60 =	vld [tilespmem:s17+$0x0];
	[tilespmem:s18+$0x1860 ss:$0x41] =	vst.msk $0xffff, v2;
	s30 =	sand.u32 $0x7, s10;
	s20 =	sshrl.u32 s29, $0x7;
	s21 =	simm.s32 @!p1 $0xF41C0  }
0x4e: {  	v61 =	vld [tilespmem:s17+$0x10];
	[tilespmem:s18+$0x0 ss:$0x41] =	vst.msk $0xffff, v1;
	p1 =	sgt.s32 s10, $0x40;
	s24 =	ssub.s32 s21, s22;
	s21 =	smov.u32 s10  }
0x4f: {  	v62 =	vld [tilespmem:s17+$0x20];
	[tilespmem:s19+$0x1C70 ss:$0x41] =	vst.msk $0xffff, v0;
	s31 =	smulhi.u32 $0x218DEF5, s20;
	s22 =	sand.u32 s25, s10;
	s21 =	simm.s32 @!p1 $0x40  }
0x50: {  	v63 =	vld [tilespmem:s17+$0xFFFFFFC0];
	[tilespmem:s19+$0x410 ss:$0x41] =	vst.msk $0xffff, v5;
	s26 =	sadd.s32 $0xFFF0BE40, s24;
	s17 =	ssub.s32 $0xF4240, s24;
	s21 =	ssub.s32 s21, s22  }
0x51: {  	[tilespmem:s19+$0x820 ss:$0x41] =	vst.msk $0xffff, v58;
	s23 =	sshrl.u32 s31, $0xD;
	p1 =	sgt.s32 s26, $0x7F;
	s27 =	sadd.s32 $0xFFFFFFC0, s21  }
0x52: {  	[tilespmem:s19+$0xC30 ss:$0x41] =	vst.msk $0xffff, v59;
	s23 =	smul.u32 $0xF4240, s23;
	s18 =	ssub.s32 $0x80, s21;
	p2 =	sgt.s32 s27, $0x3F  }
.Ltmp4:
0x53: {  	[tilespmem:s19+$0x1040 ss:$0x41] =	vst.msk $0xffff, v60;
	s17 =	simm.s32 @p1 $0x0;
	s18 =	simm.s32 @p2 $0x0;
	(pc) =	sbr.rel .LBB1_5-.Ltmp4, $4  }
0x54: {  	s29 =	sand.u32 $0xF, s28;
	[tilespmem:s19+$0x1450 ss:$0x41] =	vst.msk $0xffff, v61;
	s20 =	ssub.s32 s20, s23;
	s17 =	smul.u32 s18, s17  }
0x55: {  	[tilespmem:s19+$0x1860 ss:$0x41] =	vst.msk $0xffff, v62;
	s21 =	sshll.u32 s30, $0x12;
	s20 =	sshll.u32 s20, $0x4;
	s18 =	sadd.s32 s5, s29  }
0x56: {  	[tilespmem:s19+$0x0 ss:$0x41] =	vst.msk $0xffff, v63;
	s31 =	sor.u32 $0x40, s21;
	s18 =	sadd.s32 s20, s18;
	s17 =	sand.u32 $0x3FFFFFFF, s17  }
0x57: {  	[hbm4b:s18+s31] =	stream.strided.scatter [tilespmem:s16], [sflag:$0x2], s17, s8, s31, $0x18;
	[tilespmem:$0x8100] =	vst v63  }
.LBB1_6:
0x58: {  	_ =	sfence.sel $0x180000  }
0x59: {  	s2 =	simm.s32 $0x1;
	[bflag:$0x0] =	sbarrier.arrive $0xFFFF  }
0x5a: {  	s31 =	simm.s32 $0x2;
	[sflag:s2] =	ssyncpa.u1 $0x1  }
0x5b: {  	[sflag:s31] =	ssyncpa.u1 $0x1  }
0x5c: {  	p0 =	sne.s32 s1, $0x0;
	_ =	strace $0x90000047  }
0x5d: {  	s0 =	sadd.s32 @!p0 $0x100000, s0;
	[bflag:$0x2] =	sbarrier.arrive $0xFFFF  }
0x5e: {  	[sflag:s0] =	ssyncadd.tile.s32 @!p0 $0x1;
	_ =	shalt  }
.Lfunc_end1:
_tile_overlayer_lowered:
.L_overlay_start_2:
0x5f: {  	(tag) =	ssettag $0x2  }
0x60: {  	s0 =	rddreg [dreg:$0x0];
	s2 =	stileid.u32  }
0x61: {  	s1 =	rddreg [dreg:$0x1];
	p0 =	sne.s32 s2, $0x0  }
0x62: {  	s3 =	rddreg [dreg:$0x2];
	[bflag:$0x3] =	sbarrier.arrive $0xFFFF;
	s2 =	simm.s32 @!p0 $0x1C01  }
0x63: {  	[timem:s3], [sflag:s2] =	dma.local @!p0 [hbm:s0], s1  }
0x64: {  	s0 =	simm.s32 @!p0 $0x1  }
0x65: {  	_ =	swait.ge @!p0 [sflag:s0], s1  }
0x66: {  	s1 =	ssub.s32 @!p0 $0x0, s1;
	[sflag:s0] =	ssyncset.done @!p0 $0x0  }
0x67: {  	[sflag:s0] =	ssyncadd.s32 @!p0 s1  }
0x68: {  	[bflag:$0x3] =	sbarrier.arrive $0xFFFF  }
0x69: {  	_ =	shalt  }

</sc_bundles>
